<compile_context>
chip_gen: v7x
topology: tpu7x:2x2x1
jax: 0.10.2.dev20260603
libtpu: 0.0.44.dev20260713+nightly
codegen_flags: <defaults>
</compile_context>

<pallas_src>
import jax
import jax.numpy as jnp
from jax import lax
from jax.experimental import pallas as pl
from jax.experimental.pallas import tpu as pltpu
from jax.experimental.pallas import tpu_sc as plsc

N = 10000
E = 160000
D = 256
DH = 128
N2 = 10240
NC = 2
NS = 16
NW = NC * NS
CH = 128
NCHUNK = E // CH
NCHP = 1280
CPW = NCHP // NW
ROWS_PER_TILE = N2 // NS

_mesh = plsc.VectorSubcoreMesh(
    core_axis_name="c", subcore_axis_name="s", num_cores=NC, num_subcores=NS
)
_sc_params = pltpu.CompilerParams(needs_layout_passes=False)


def _deg_body(src_hbm, dst_hbm, out_hbm, srcall, dstall, dego, degi):
    c = lax.axis_index("c")
    s = lax.axis_index("s")
    wid = s * NC + c
    zeros16 = jnp.zeros((16,), jnp.float32)
    ones16 = jnp.ones((16,), jnp.float32)

    pltpu.sync_copy(src_hbm.at[pl.ds(wid * CPW, CPW)], srcall)
    pltpu.sync_copy(dst_hbm.at[pl.ds(wid * CPW, CPW)], dstall)

    def zero_body(i, _):
        dego[pl.ds(i * 16, 16)] = zeros16
        degi[pl.ds(i * 16, 16)] = zeros16
        return 0

    lax.fori_loop(0, N2 // 16, zero_body, 0)

    def chunk_body(i, _):
        for j in range(CH // 16):
            si = srcall[i, pl.ds(16 * j, 16)]
            plsc.addupdate_scatter(dego, [si], ones16)
            di = dstall[i, pl.ds(16 * j, 16)]
            plsc.addupdate_scatter(degi, [di], ones16)
        return 0

    lax.fori_loop(0, CPW, chunk_body, 0)
    pltpu.sync_copy(dego, out_hbm.at[c, s, 0])
    pltpu.sync_copy(degi, out_hbm.at[c, s, 1])


_deg = pl.kernel(
    _deg_body,
    out_type=jax.ShapeDtypeStruct((NC, NS, 2, N2), jnp.float32),
    mesh=_mesh,
    scratch_types=[
        pltpu.VMEM((CPW, CH), jnp.int32),
        pltpu.VMEM((CPW, CH), jnp.int32),
        pltpu.VMEM((N2,), jnp.float32),
        pltpu.VMEM((N2,), jnp.float32),
    ],
    compiler_params=_sc_params,
)


def _agg_body(hs_hbm, src_hbm, dst_hbm, zrows_hbm, out_hbm,
              srcb0, dstb0, rows0, agg_sh, g0):
    c = lax.axis_index("c")
    s = lax.axis_index("s")
    off = c * N2

    pltpu.sync_copy(zrows_hbm, agg_sh.at[pl.ds(s * ROWS_PER_TILE,
                                               ROWS_PER_TILE)])
    plsc.subcore_barrier()

    def adjust(buf):
        for j in range(CH // 16):
            sl = pl.ds(16 * j, 16)
            buf[sl] = buf[sl] + off

    nch = NCHUNK // NS + jnp.where(s < NCHUNK - (NCHUNK // NS) * NS, 1, 0)
    cbase = s * (NCHUNK // NS) + jnp.minimum(s, NCHUNK - (NCHUNK // NS) * NS)

    def chunk_body(i, _):
        ch = cbase + i
        pltpu.sync_copy(src_hbm.at[ch], srcb0)
        pltpu.sync_copy(dst_hbm.at[ch], dstb0)
        adjust(srcb0)
        pltpu.async_copy(hs_hbm.at[srcb0], rows0, g0).wait()
        pltpu.sync_copy(rows0, agg_sh.at[dstb0], add=True)
        return 0

    lax.fori_loop(0, nch, chunk_body, 0)
    plsc.subcore_barrier()
    pltpu.sync_copy(
        agg_sh.at[pl.ds(s * ROWS_PER_TILE, ROWS_PER_TILE)],
        out_hbm.at[pl.ds(c * N2 + s * ROWS_PER_TILE, ROWS_PER_TILE)],
    )


_agg = pl.kernel(
    _agg_body,
    out_type=jax.ShapeDtypeStruct((NC * N2, DH), jnp.float32),
    mesh=_mesh,
    scratch_types=[
        pltpu.VMEM((CH,), jnp.int32),
        pltpu.VMEM((CH,), jnp.int32),
        pltpu.VMEM((CH, DH), jnp.float32),
        pltpu.VMEM_SHARED((N2, DH), jnp.float32),
        pltpu.SemaphoreType.DMA,
    ],
    compiler_params=_sc_params,
)


_HI = jax.lax.Precision.HIGHEST
_BN = 1024
_NB = N2 // _BN
_NORM_BN = 256


def _mm1_body(degp_ref, x_ref, w_ref, out_ref, ns_ref, nd_ref, ns_sc, nd_sc):
    b = pl.program_id(0)
    p = pl.program_id(1)

    @pl.when((b == 0) & (p == 0))
    def _():
        ii = lax.broadcasted_iota(jnp.int32, (_NORM_BN, _NORM_BN), 0)
        jj = lax.broadcasted_iota(jnp.int32, (_NORM_BN, _NORM_BN), 1)
        ident = jnp.where(ii == jj, 1.0, 0.0)

        def nbody(i, _):
            sl = pl.ds(i * _NORM_BN, _NORM_BN)
            d = jnp.sum(degp_ref[:, :, sl], axis=0)
            cols = lax.dot_general(ident, d, (((1,), (1,)), ((), ())),
                                   precision=_HI)
            do = cols[:, 0:1]
            di = cols[:, 1:2]
            ns_sc[sl, :] = jnp.where(
                do > 0.0, lax.rsqrt(jnp.maximum(do, 1e-12)), 0.0)
            nd_sc[sl, :] = jnp.where(
                di > 0.0, lax.rsqrt(jnp.maximum(di, 1e-12)), 0.0)
            return 0

        lax.fori_loop(0, N2 // _NORM_BN, nbody, 0)

    nsb = ns_sc[pl.ds(b * _BN, _BN), :]
    h = jnp.dot(x_ref[...], w_ref[...], precision=_HI)
    hs = h * nsb
    out_ref[...] = jnp.where(p == 0, hs[:, :DH], hs[:, DH:])
    ns_ref[...] = nsb
    nd_ref[...] = nd_sc[pl.ds(b * _BN, _BN), :]


def _mm1(degp, x, W1):
    return pl.pallas_call(
        _mm1_body,
        grid=(_NB, NC),
        in_specs=[
            pl.BlockSpec((NW, 2, N2), lambda b, p: (0, 0, 0)),
            pl.BlockSpec((_BN, D), lambda b, p: (b, 0)),
            pl.BlockSpec((D, D), lambda b, p: (0, 0)),
        ],
        out_specs=[
            pl.BlockSpec((_BN, DH), lambda b, p: (p * _NB + b, 0)),
            pl.BlockSpec((_BN, 1), lambda b, p: (b, 0)),
            pl.BlockSpec((_BN, 1), lambda b, p: (b, 0)),
        ],
        out_shape=[
            jax.ShapeDtypeStruct((NC * N2, DH), jnp.float32),
            jax.ShapeDtypeStruct((N2, 1), jnp.float32),
            jax.ShapeDtypeStruct((N2, 1), jnp.float32),
        ],
        scratch_shapes=[
            pltpu.VMEM((N2, 1), jnp.float32),
            pltpu.VMEM((N2, 1), jnp.float32),
        ],
    )(degp, x, W1)


def _mm2_body(a0_ref, a1_ref, nd_ref, b1_ref, w_ref, ns_ref, out_ref):
    p = pl.program_id(1)
    a = jnp.concatenate([a0_ref[...], a1_ref[...]], axis=1)
    t = jnp.maximum(a * nd_ref[...] + b1_ref[...], 0.0)
    h = jnp.dot(t, w_ref[...], precision=_HI)
    hs = h * ns_ref[...]
    out_ref[...] = jnp.where(p == 0, hs[:, :DH], hs[:, DH:])


def _mm2(agg1, nd, b1, W2, ns):
    return pl.pallas_call(
        _mm2_body,
        grid=(_NB, NC),
        in_specs=[
            pl.BlockSpec((_BN, DH), lambda b, p: (b, 0)),
            pl.BlockSpec((_BN, DH), lambda b, p: (b + _NB, 0)),
            pl.BlockSpec((_BN, 1), lambda b, p: (b, 0)),
            pl.BlockSpec((1, D), lambda b, p: (0, 0)),
            pl.BlockSpec((D, D), lambda b, p: (0, 0)),
            pl.BlockSpec((_BN, 1), lambda b, p: (b, 0)),
        ],
        out_specs=pl.BlockSpec((_BN, DH), lambda b, p: (p * _NB + b, 0)),
        out_shape=jax.ShapeDtypeStruct((NC * N2, DH), jnp.float32),
    )(agg1, agg1, nd, b1, W2, ns)


def _final_body(a0_ref, a1_ref, nd_ref, b2_ref, out_ref):
    a = jnp.concatenate([a0_ref[...], a1_ref[...]], axis=1)
    out_ref[...] = a * nd_ref[...] + b2_ref[...]


def _final(agg2, nd, b2):
    return pl.pallas_call(
        _final_body,
        grid=(_NB,),
        in_specs=[
            pl.BlockSpec((_BN, DH), lambda b: (b, 0)),
            pl.BlockSpec((_BN, DH), lambda b: (b + _NB, 0)),
            pl.BlockSpec((_BN, 1), lambda b: (b, 0)),
            pl.BlockSpec((1, D), lambda b: (0, 0)),
        ],
        out_specs=pl.BlockSpec((_BN, D), lambda b: (b, 0)),
        out_shape=jax.ShapeDtypeStruct((N, D), jnp.float32),
    )(agg2, agg2, nd, b2)


@jax.jit
def kernel(x, edge_index, W1, b1, W2, b2):
    pad = jnp.full((NCHP * CH - E,), N, jnp.int32)
    srcd = jnp.concatenate([edge_index[0], pad]).reshape(NCHP, CH)
    dstd = jnp.concatenate([edge_index[1], pad]).reshape(NCHP, CH)

    degp = _deg(srcd, dstd).reshape(NC * NS, 2, N2)
    zrows = jnp.zeros((ROWS_PER_TILE, DH), jnp.float32)

    hs1, ns, nd = _mm1(degp, x, W1)
    agg1 = _agg(hs1, srcd, dstd, zrows)

    hs2 = _mm2(agg1, nd, b1.reshape(1, D), W2, ns)
    agg2 = _agg(hs2, srcd, dstd, zrows)

    return _final(agg2, nd, b2.reshape(1, D))

# --- scband reference (transcript-rebuilt; emitter-appended) ---
"""Pipeline reference for scband-gcn-63651415327133 (READ-ONLY COPY).

The authoritative reference and input builder live on the scoring server;
editing this copy changes nothing except your own understanding.
"""

import jax, jax.numpy as jnp
import numpy as np

N = 10000
E = 160000
D_IN = 256
D_HID = 256
D_OUT = 256


def setup_inputs(seed: int = 0) -> dict:
    key = jax.random.key(seed)
    k1, k2, k3, k4 = jax.random.split(key, 4)
    x = jax.random.normal(k1, (N, D_IN), dtype=jnp.float32)
    edge_index = jax.random.randint(k2, (2, E), 0, N, dtype=jnp.int32)
    W1 = jax.random.normal(k3, (D_IN, D_HID), dtype=jnp.float32) * (1.0 / np.sqrt(D_IN))
    b1 = jnp.zeros((D_HID,), dtype=jnp.float32)
    W2 = jax.random.normal(k4, (D_HID, D_OUT), dtype=jnp.float32) * (1.0 / np.sqrt(D_HID))
    b2 = jnp.zeros((D_OUT,), dtype=jnp.float32)
    return {"x": x, "edge_index": edge_index, "W1": W1, "b1": b1, "W2": W2, "b2": b2}


def _gcn_conv(x, edge_index, W, b):
    src = edge_index[0]
    dst = edge_index[1]
    n = x.shape[0]
    ones = jnp.ones((edge_index.shape[1],), dtype=x.dtype)
    deg_in = jnp.zeros((n,), dtype=x.dtype).at[dst].add(ones)
    deg_out = jnp.zeros((n,), dtype=x.dtype).at[src].add(ones)
    norm_src = jnp.where(deg_out > 0, jax.lax.rsqrt(jnp.maximum(deg_out, 1e-12)), 0.0)
    norm_dst = jnp.where(deg_in > 0, jax.lax.rsqrt(jnp.maximum(deg_in, 1e-12)), 0.0)
    h = x @ W
    msg = h[src] * norm_src[src][:, None]
    agg = jnp.zeros((n, h.shape[1]), dtype=h.dtype).at[dst].add(msg)
    return agg * norm_dst[:, None] + b


def reference(x, edge_index, W1, b1, W2, b2):
    h = _gcn_conv(x, edge_index, W1, b1)
    h = jax.nn.relu(h)
    # dropout p=0.0 -> identity (deterministic)
    out = _gcn_conv(h, edge_index, W2, b2)
    return out

if __name__ == "__main__":
    import jax
    _d = setup_inputs()
    print(jax.jit(kernel)(*tuple(_d.values())))

</pallas_src>

<mosaic_0001>
#map = affine_map<(d0, d1) -> (0, 0)>
module attributes {stable_mosaic.version = 14 : i64} {
  func.func @_agg_body(%arg0: i32, %arg1: i32, %arg2: memref<20480x128xf32, #tpu.memory_space<hbm>>, %arg3: memref<1280x128xi32, #tpu.memory_space<hbm>>, %arg4: memref<1280x128xi32, #tpu.memory_space<hbm>>, %arg5: memref<640x128xf32, #tpu.memory_space<hbm>>, %arg6: memref<20480x128xf32, #tpu.memory_space<hbm>>, %arg7: memref<128xi32, #tpu.memory_space<vmem>>, %arg8: memref<128xi32, #tpu.memory_space<vmem>>, %arg9: memref<128x128xf32, #tpu.memory_space<vmem>>, %arg10: memref<10240x128xf32, #tpu.memory_space<vmem_shared>>, %arg11: memref<!tpu.dma_semaphore, #tpu.memory_space<semaphore_mem>>) attributes {dimension_semantics = [#tpu.dimension_semantics<core_parallel>, #tpu.dimension_semantics<subcore_parallel>], iteration_bounds = array<i64: 2, 16>, scalar_prefetch = 0 : i64, scratch_operands = 5 : i64, tpu.core_type = #tpu.core_type<sc_vector_subcore>, window_params = [{transform_indices = #map}, {transform_indices = #map}, {transform_indices = #map}, {transform_indices = #map}, {transform_indices = #map}]} {
    %mul3A = arith.constant 10240 : i32
    %mul3A_0 = arith.muli %arg0, %mul3A : i32
    %mul3A_1 = arith.constant 640 : i32
    %mul3A_2 = arith.muli %arg1, %mul3A_1 : i32
    "tpu.region"() ({
      %run_scoped3A = tpu.sem_alloc : memref<!tpu.dma_semaphore, #tpu.memory_space<semaphore_mem>>
      %dma_start3A = arith.constant 0 : i32
      %dma_start3A_29 = tpu.memref_slice %arg10[%mul3A_2, %dma_start3A] : memref<10240x128xf32, #tpu.memory_space<vmem_shared>> -> memref<640x128xf32, #tpu.memory_space<vmem_shared>>
      tpu.enqueue_dma source(%arg5 : memref<640x128xf32, #tpu.memory_space<hbm>>) target(%dma_start3A_29 : memref<640x128xf32, #tpu.memory_space<vmem_shared>>) target_semaphore(%run_scoped3A : memref<!tpu.dma_semaphore, #tpu.memory_space<semaphore_mem>>)
      %dma_wait3A = arith.constant 0 : i32
      %dma_wait3A_30 = tpu.memref_slice %arg10[%mul3A_2, %dma_wait3A] : memref<10240x128xf32, #tpu.memory_space<vmem_shared>> -> memref<640x128xf32, #tpu.memory_space<vmem_shared>>
      tpu.wait_dma2 semaphore(%run_scoped3A : memref<!tpu.dma_semaphore, #tpu.memory_space<semaphore_mem>>) src(%arg5 : memref<640x128xf32, #tpu.memory_space<hbm>>) dst(%dma_wait3A_30 : memref<640x128xf32, #tpu.memory_space<vmem_shared>>)
      tpu.yield
    }) : () -> ()
    %barrier3A = arith.constant 0 : index
    tpu.barrier barrier_id(%barrier3A)
    %lt3A = arith.constant 2 : i32
    %lt3A_3 = arith.cmpi slt, %arg1, %lt3A : i32
    %jit3A = arith.constant 1 : i32
    %jit3A_4 = arith.constant 0 : i32
    %select_n3A = arith.select %lt3A_3, %jit3A, %jit3A_4 : i32
    %add3A = arith.constant 78 : i32
    %add3A_5 = arith.addi %add3A, %select_n3A : i32
    %mul3A_6 = arith.constant 78 : i32
    %mul3A_7 = arith.muli %arg1, %mul3A_6 : i32
    %min3A = arith.constant 2 : i32
    %min3A_8 = arith.minsi %arg1, %min3A : i32
    %add3A_9 = arith.addi %mul3A_7, %min3A_8 : i32
    %while3A = arith.constant 0 : i32
    %while3A_10 = arith.constant 0 : i32
    %while3A_11 = arith.subi %add3A_5, %while3A : i32
    %while3A_12 = arith.addi %while3A, %while3A_11 : i32
    %while3A_13 = arith.constant 1 : i32
    %while3A_14 = arith.divsi %while3A_11, %while3A_13 : i32
    %while3A_15 = arith.muli %while3A_14, %while3A_13 : i32
    %while3A_16 = arith.addi %while3A, %while3A_15 : i32
    %while3A_17 = arith.constant 1 : i32
    %while3A_18 = scf.for %while3A_29 = %while3A to %while3A_16 step %while3A_17 iter_args(%while3A_30 = %while3A_10) -> (i32)  : i32 {
      %add3A_31 = arith.addi %add3A_9, %while3A_29 : i32
      "tpu.region"() ({
        %run_scoped3A = tpu.sem_alloc : memref<!tpu.dma_semaphore, #tpu.memory_space<semaphore_mem>>
        %dma_start3A_83 = arith.constant 0 : i32
        %dma_start3A_84 = tpu.memref_slice %arg3[%add3A_31, %dma_start3A_83] : memref<1280x128xi32, #tpu.memory_space<hbm>> -> memref<1x128xi32, #tpu.memory_space<hbm>>
        %dma_start3A_85 = tpu.memref_squeeze %dma_start3A_84 : memref<1x128xi32, #tpu.memory_space<hbm>> -> memref<128xi32, #tpu.memory_space<hbm>>
        %dma_start3A_86 = arith.constant 0 : i32
        %dma_start3A_87 = tpu.memref_slice %arg3[%add3A_31, %dma_start3A_86] : memref<1280x128xi32, #tpu.memory_space<hbm>> -> memref<1x128xi32, #tpu.memory_space<hbm>>
        %dma_start3A_88 = tpu.memref_squeeze %dma_start3A_87 : memref<1x128xi32, #tpu.memory_space<hbm>> -> memref<128xi32, #tpu.memory_space<hbm>>
        tpu.enqueue_dma source(%dma_start3A_88 : memref<128xi32, #tpu.memory_space<hbm>>) target(%arg7 : memref<128xi32, #tpu.memory_space<vmem>>) target_semaphore(%run_scoped3A : memref<!tpu.dma_semaphore, #tpu.memory_space<semaphore_mem>>)
        %dma_wait3A_89 = arith.constant 0 : i32
        %dma_wait3A_90 = tpu.memref_slice %arg3[%add3A_31, %dma_wait3A_89] : memref<1280x128xi32, #tpu.memory_space<hbm>> -> memref<1x128xi32, #tpu.memory_space<hbm>>
        %dma_wait3A_91 = tpu.memref_squeeze %dma_wait3A_90 : memref<1x128xi32, #tpu.memory_space<hbm>> -> memref<128xi32, #tpu.memory_space<hbm>>
        %dma_wait3A_92 = arith.constant 0 : i32
        %dma_wait3A_93 = tpu.memref_slice %arg3[%add3A_31, %dma_wait3A_92] : memref<1280x128xi32, #tpu.memory_space<hbm>> -> memref<1x128xi32, #tpu.memory_space<hbm>>
        %dma_wait3A_94 = tpu.memref_squeeze %dma_wait3A_93 : memref<1x128xi32, #tpu.memory_space<hbm>> -> memref<128xi32, #tpu.memory_space<hbm>>
        tpu.wait_dma2 semaphore(%run_scoped3A : memref<!tpu.dma_semaphore, #tpu.memory_space<semaphore_mem>>) src(%dma_wait3A_94 : memref<128xi32, #tpu.memory_space<hbm>>) dst(%arg7 : memref<128xi32, #tpu.memory_space<vmem>>)
        tpu.yield
      }) : () -> ()
      "tpu.region"() ({
        %run_scoped3A = tpu.sem_alloc : memref<!tpu.dma_semaphore, #tpu.memory_space<semaphore_mem>>
        %dma_start3A_83 = arith.constant 0 : i32
        %dma_start3A_84 = tpu.memref_slice %arg4[%add3A_31, %dma_start3A_83] : memref<1280x128xi32, #tpu.memory_space<hbm>> -> memref<1x128xi32, #tpu.memory_space<hbm>>
        %dma_start3A_85 = tpu.memref_squeeze %dma_start3A_84 : memref<1x128xi32, #tpu.memory_space<hbm>> -> memref<128xi32, #tpu.memory_space<hbm>>
        %dma_start3A_86 = arith.constant 0 : i32
        %dma_start3A_87 = tpu.memref_slice %arg4[%add3A_31, %dma_start3A_86] : memref<1280x128xi32, #tpu.memory_space<hbm>> -> memref<1x128xi32, #tpu.memory_space<hbm>>
        %dma_start3A_88 = tpu.memref_squeeze %dma_start3A_87 : memref<1x128xi32, #tpu.memory_space<hbm>> -> memref<128xi32, #tpu.memory_space<hbm>>
        tpu.enqueue_dma source(%dma_start3A_88 : memref<128xi32, #tpu.memory_space<hbm>>) target(%arg8 : memref<128xi32, #tpu.memory_space<vmem>>) target_semaphore(%run_scoped3A : memref<!tpu.dma_semaphore, #tpu.memory_space<semaphore_mem>>)
        %dma_wait3A_89 = arith.constant 0 : i32
        %dma_wait3A_90 = tpu.memref_slice %arg4[%add3A_31, %dma_wait3A_89] : memref<1280x128xi32, #tpu.memory_space<hbm>> -> memref<1x128xi32, #tpu.memory_space<hbm>>
        %dma_wait3A_91 = tpu.memref_squeeze %dma_wait3A_90 : memref<1x128xi32, #tpu.memory_space<hbm>> -> memref<128xi32, #tpu.memory_space<hbm>>
        %dma_wait3A_92 = arith.constant 0 : i32
        %dma_wait3A_93 = tpu.memref_slice %arg4[%add3A_31, %dma_wait3A_92] : memref<1280x128xi32, #tpu.memory_space<hbm>> -> memref<1x128xi32, #tpu.memory_space<hbm>>
        %dma_wait3A_94 = tpu.memref_squeeze %dma_wait3A_93 : memref<1x128xi32, #tpu.memory_space<hbm>> -> memref<128xi32, #tpu.memory_space<hbm>>
        tpu.wait_dma2 semaphore(%run_scoped3A : memref<!tpu.dma_semaphore, #tpu.memory_space<semaphore_mem>>) src(%dma_wait3A_94 : memref<128xi32, #tpu.memory_space<hbm>>) dst(%arg8 : memref<128xi32, #tpu.memory_space<vmem>>)
        tpu.yield
      }) : () -> ()
      %get3A = arith.constant 0 : index
      %get3A_32 = tpu.vector_load %arg7[%get3A] {strides = array<i32>} : memref<128xi32, #tpu.memory_space<vmem>>, vector<16xi32>,
      %add3A_33 = vector.broadcast %mul3A_0 : i32 to vector<16xi32>
      %add3A_34 = arith.addi %get3A_32, %add3A_33 : vector<16xi32>
      %swap3A = arith.constant 0 : index
      %swap3A_35 = tpu.vector_load %arg7[%swap3A] {strides = array<i32>} : memref<128xi32, #tpu.memory_space<vmem>>, vector<16xi32>,
      tpu.vector_store %arg7[%swap3A], %add3A_34 {strides = array<i32>} : memref<128xi32, #tpu.memory_space<vmem>>, vector<16xi32>,
      %get3A_36 = arith.constant 16 : index
      %get3A_37 = tpu.vector_load %arg7[%get3A_36] {strides = array<i32>} : memref<128xi32, #tpu.memory_space<vmem>>, vector<16xi32>,
      %add3A_38 = vector.broadcast %mul3A_0 : i32 to vector<16xi32>
      %add3A_39 = arith.addi %get3A_37, %add3A_38 : vector<16xi32>
      %swap3A_40 = arith.constant 16 : index
      %swap3A_41 = tpu.vector_load %arg7[%swap3A_40] {strides = array<i32>} : memref<128xi32, #tpu.memory_space<vmem>>, vector<16xi32>,
      tpu.vector_store %arg7[%swap3A_40], %add3A_39 {strides = array<i32>} : memref<128xi32, #tpu.memory_space<vmem>>, vector<16xi32>,
      %get3A_42 = arith.constant 32 : index
      %get3A_43 = tpu.vector_load %arg7[%get3A_42] {strides = array<i32>} : memref<128xi32, #tpu.memory_space<vmem>>, vector<16xi32>,
      %add3A_44 = vector.broadcast %mul3A_0 : i32 to vector<16xi32>
      %add3A_45 = arith.addi %get3A_43, %add3A_44 : vector<16xi32>
      %swap3A_46 = arith.constant 32 : index
      %swap3A_47 = tpu.vector_load %arg7[%swap3A_46] {strides = array<i32>} : memref<128xi32, #tpu.memory_space<vmem>>, vector<16xi32>,
      tpu.vector_store %arg7[%swap3A_46], %add3A_45 {strides = array<i32>} : memref<128xi32, #tpu.memory_space<vmem>>, vector<16xi32>,
      %get3A_48 = arith.constant 48 : index
      %get3A_49 = tpu.vector_load %arg7[%get3A_48] {strides = array<i32>} : memref<128xi32, #tpu.memory_space<vmem>>, vector<16xi32>,
      %add3A_50 = vector.broadcast %mul3A_0 : i32 to vector<16xi32>
      %add3A_51 = arith.addi %get3A_49, %add3A_50 : vector<16xi32>
      %swap3A_52 = arith.constant 48 : index
      %swap3A_53 = tpu.vector_load %arg7[%swap3A_52] {strides = array<i32>} : memref<128xi32, #tpu.memory_space<vmem>>, vector<16xi32>,
      tpu.vector_store %arg7[%swap3A_52], %add3A_51 {strides = array<i32>} : memref<128xi32, #tpu.memory_space<vmem>>, vector<16xi32>,
      %get3A_54 = arith.constant 64 : index
      %get3A_55 = tpu.vector_load %arg7[%get3A_54] {strides = array<i32>} : memref<128xi32, #tpu.memory_space<vmem>>, vector<16xi32>,
      %add3A_56 = vector.broadcast %mul3A_0 : i32 to vector<16xi32>
      %add3A_57 = arith.addi %get3A_55, %add3A_56 : vector<16xi32>
      %swap3A_58 = arith.constant 64 : index
      %swap3A_59 = tpu.vector_load %arg7[%swap3A_58] {strides = array<i32>} : memref<128xi32, #tpu.memory_space<vmem>>, vector<16xi32>,
      tpu.vector_store %arg7[%swap3A_58], %add3A_57 {strides = array<i32>} : memref<128xi32, #tpu.memory_space<vmem>>, vector<16xi32>,
      %get3A_60 = arith.constant 80 : index
      %get3A_61 = tpu.vector_load %arg7[%get3A_60] {strides = array<i32>} : memref<128xi32, #tpu.memory_space<vmem>>, vector<16xi32>,
      %add3A_62 = vector.broadcast %mul3A_0 : i32 to vector<16xi32>
      %add3A_63 = arith.addi %get3A_61, %add3A_62 : vector<16xi32>
      %swap3A_64 = arith.constant 80 : index
      %swap3A_65 = tpu.vector_load %arg7[%swap3A_64] {strides = array<i32>} : memref<128xi32, #tpu.memory_space<vmem>>, vector<16xi32>,
      tpu.vector_store %arg7[%swap3A_64], %add3A_63 {strides = array<i32>} : memref<128xi32, #tpu.memory_space<vmem>>, vector<16xi32>,
      %get3A_66 = arith.constant 96 : index
      %get3A_67 = tpu.vector_load %arg7[%get3A_66] {strides = array<i32>} : memref<128xi32, #tpu.memory_space<vmem>>, vector<16xi32>,
      %add3A_68 = vector.broadcast %mul3A_0 : i32 to vector<16xi32>
      %add3A_69 = arith.addi %get3A_67, %add3A_68 : vector<16xi32>
      %swap3A_70 = arith.constant 96 : index
      %swap3A_71 = tpu.vector_load %arg7[%swap3A_70] {strides = array<i32>} : memref<128xi32, #tpu.memory_space<vmem>>, vector<16xi32>,
      tpu.vector_store %arg7[%swap3A_70], %add3A_69 {strides = array<i32>} : memref<128xi32, #tpu.memory_space<vmem>>, vector<16xi32>,
      %get3A_72 = arith.constant 112 : index
      %get3A_73 = tpu.vector_load %arg7[%get3A_72] {strides = array<i32>} : memref<128xi32, #tpu.memory_space<vmem>>, vector<16xi32>,
      %add3A_74 = vector.broadcast %mul3A_0 : i32 to vector<16xi32>
      %add3A_75 = arith.addi %get3A_73, %add3A_74 : vector<16xi32>
      %swap3A_76 = arith.constant 112 : index
      %swap3A_77 = tpu.vector_load %arg7[%swap3A_76] {strides = array<i32>} : memref<128xi32, #tpu.memory_space<vmem>>, vector<16xi32>,
      tpu.vector_store %arg7[%swap3A_76], %add3A_75 {strides = array<i32>} : memref<128xi32, #tpu.memory_space<vmem>>, vector<16xi32>,
      %dma_start3A = arith.constant 0 : i32
      %dma_start3A_78 = arith.constant 0 : i32
      %dma_start3A_79 = tpu.memref_slice %arg2[%dma_start3A, %dma_start3A_78] : memref<20480x128xf32, #tpu.memory_space<hbm>> -> memref<20480x128xf32, #tpu.memory_space<hbm>>
      tpu.enqueue_indirect_dma source(%dma_start3A_79 : memref<20480x128xf32, #tpu.memory_space<hbm>>) target(%arg9 : memref<128x128xf32, #tpu.memory_space<vmem>>) offsets(%arg7 : memref<128xi32, #tpu.memory_space<vmem>>) semaphore(%arg11 : memref<!tpu.dma_semaphore, #tpu.memory_space<semaphore_mem>>)
      %dma_wait3A = arith.constant 0 : i32
      %dma_wait3A_80 = arith.constant 0 : i32
      %dma_wait3A_81 = tpu.memref_slice %arg2[%dma_wait3A, %dma_wait3A_80] : memref<20480x128xf32, #tpu.memory_space<hbm>> -> memref<20480x128xf32, #tpu.memory_space<hbm>>
      tpu.wait_indirect_dma semaphore(%arg11 : memref<!tpu.dma_semaphore, #tpu.memory_space<semaphore_mem>>) src(%dma_wait3A_81 : memref<20480x128xf32, #tpu.memory_space<hbm>>) dst(%arg9 : memref<128x128xf32, #tpu.memory_space<vmem>>)
      "tpu.region"() ({
        %run_scoped3A = tpu.sem_alloc : memref<!tpu.dma_semaphore, #tpu.memory_space<semaphore_mem>>
        %dma_start3A_83 = arith.constant 0 : i32
        %dma_start3A_84 = arith.constant 0 : i32
        %dma_start3A_85 = tpu.memref_slice %arg10[%dma_start3A_83, %dma_start3A_84] : memref<10240x128xf32, #tpu.memory_space<vmem_shared>> -> memref<10240x128xf32, #tpu.memory_space<vmem_shared>>
        tpu.enqueue_indirect_dma source(%arg9 : memref<128x128xf32, #tpu.memory_space<vmem>>) target(%dma_start3A_85 : memref<10240x128xf32, #tpu.memory_space<vmem_shared>>) offsets(%arg8 : memref<128xi32, #tpu.memory_space<vmem>>) semaphore(%run_scoped3A : memref<!tpu.dma_semaphore, #tpu.memory_space<semaphore_mem>>) {add = true}
        %dma_wait3A_86 = arith.constant 0 : i32
        %dma_wait3A_87 = arith.constant 0 : i32
        %dma_wait3A_88 = tpu.memref_slice %arg10[%dma_wait3A_86, %dma_wait3A_87] : memref<10240x128xf32, #tpu.memory_space<vmem_shared>> -> memref<10240x128xf32, #tpu.memory_space<vmem_shared>>
        tpu.wait_indirect_dma semaphore(%run_scoped3A : memref<!tpu.dma_semaphore, #tpu.memory_space<semaphore_mem>>) src(%arg9 : memref<128x128xf32, #tpu.memory_space<vmem>>) dst(%dma_wait3A_88 : memref<10240x128xf32, #tpu.memory_space<vmem_shared>>)
        tpu.yield
      }) : () -> ()
      %while3A_82 = arith.constant 0 : i32
      scf.yield %while3A_82 : i32
    }
    %while3A_19 = arith.constant 1 : i32
    %while3A_20 = scf.for %while3A_29 = %while3A_16 to %while3A_12 step %while3A_19 iter_args(%while3A_30 = %while3A_18) -> (i32)  : i32 {
      %add3A_31 = arith.addi %add3A_9, %while3A_29 : i32
      "tpu.region"() ({
        %run_scoped3A = tpu.sem_alloc : memref<!tpu.dma_semaphore, #tpu.memory_space<semaphore_mem>>
        %dma_start3A_83 = arith.constant 0 : i32
        %dma_start3A_84 = tpu.memref_slice %arg3[%add3A_31, %dma_start3A_83] : memref<1280x128xi32, #tpu.memory_space<hbm>> -> memref<1x128xi32, #tpu.memory_space<hbm>>
        %dma_start3A_85 = tpu.memref_squeeze %dma_start3A_84 : memref<1x128xi32, #tpu.memory_space<hbm>> -> memref<128xi32, #tpu.memory_space<hbm>>
        %dma_start3A_86 = arith.constant 0 : i32
        %dma_start3A_87 = tpu.memref_slice %arg3[%add3A_31, %dma_start3A_86] : memref<1280x128xi32, #tpu.memory_space<hbm>> -> memref<1x128xi32, #tpu.memory_space<hbm>>
        %dma_start3A_88 = tpu.memref_squeeze %dma_start3A_87 : memref<1x128xi32, #tpu.memory_space<hbm>> -> memref<128xi32, #tpu.memory_space<hbm>>
        tpu.enqueue_dma source(%dma_start3A_88 : memref<128xi32, #tpu.memory_space<hbm>>) target(%arg7 : memref<128xi32, #tpu.memory_space<vmem>>) target_semaphore(%run_scoped3A : memref<!tpu.dma_semaphore, #tpu.memory_space<semaphore_mem>>)
        %dma_wait3A_89 = arith.constant 0 : i32
        %dma_wait3A_90 = tpu.memref_slice %arg3[%add3A_31, %dma_wait3A_89] : memref<1280x128xi32, #tpu.memory_space<hbm>> -> memref<1x128xi32, #tpu.memory_space<hbm>>
        %dma_wait3A_91 = tpu.memref_squeeze %dma_wait3A_90 : memref<1x128xi32, #tpu.memory_space<hbm>> -> memref<128xi32, #tpu.memory_space<hbm>>
        %dma_wait3A_92 = arith.constant 0 : i32
        %dma_wait3A_93 = tpu.memref_slice %arg3[%add3A_31, %dma_wait3A_92] : memref<1280x128xi32, #tpu.memory_space<hbm>> -> memref<1x128xi32, #tpu.memory_space<hbm>>
        %dma_wait3A_94 = tpu.memref_squeeze %dma_wait3A_93 : memref<1x128xi32, #tpu.memory_space<hbm>> -> memref<128xi32, #tpu.memory_space<hbm>>
        tpu.wait_dma2 semaphore(%run_scoped3A : memref<!tpu.dma_semaphore, #tpu.memory_space<semaphore_mem>>) src(%dma_wait3A_94 : memref<128xi32, #tpu.memory_space<hbm>>) dst(%arg7 : memref<128xi32, #tpu.memory_space<vmem>>)
        tpu.yield
      }) : () -> ()
      "tpu.region"() ({
        %run_scoped3A = tpu.sem_alloc : memref<!tpu.dma_semaphore, #tpu.memory_space<semaphore_mem>>
        %dma_start3A_83 = arith.constant 0 : i32
        %dma_start3A_84 = tpu.memref_slice %arg4[%add3A_31, %dma_start3A_83] : memref<1280x128xi32, #tpu.memory_space<hbm>> -> memref<1x128xi32, #tpu.memory_space<hbm>>
        %dma_start3A_85 = tpu.memref_squeeze %dma_start3A_84 : memref<1x128xi32, #tpu.memory_space<hbm>> -> memref<128xi32, #tpu.memory_space<hbm>>
        %dma_start3A_86 = arith.constant 0 : i32
        %dma_start3A_87 = tpu.memref_slice %arg4[%add3A_31, %dma_start3A_86] : memref<1280x128xi32, #tpu.memory_space<hbm>> -> memref<1x128xi32, #tpu.memory_space<hbm>>
        %dma_start3A_88 = tpu.memref_squeeze %dma_start3A_87 : memref<1x128xi32, #tpu.memory_space<hbm>> -> memref<128xi32, #tpu.memory_space<hbm>>
        tpu.enqueue_dma source(%dma_start3A_88 : memref<128xi32, #tpu.memory_space<hbm>>) target(%arg8 : memref<128xi32, #tpu.memory_space<vmem>>) target_semaphore(%run_scoped3A : memref<!tpu.dma_semaphore, #tpu.memory_space<semaphore_mem>>)
        %dma_wait3A_89 = arith.constant 0 : i32
        %dma_wait3A_90 = tpu.memref_slice %arg4[%add3A_31, %dma_wait3A_89] : memref<1280x128xi32, #tpu.memory_space<hbm>> -> memref<1x128xi32, #tpu.memory_space<hbm>>
        %dma_wait3A_91 = tpu.memref_squeeze %dma_wait3A_90 : memref<1x128xi32, #tpu.memory_space<hbm>> -> memref<128xi32, #tpu.memory_space<hbm>>
        %dma_wait3A_92 = arith.constant 0 : i32
        %dma_wait3A_93 = tpu.memref_slice %arg4[%add3A_31, %dma_wait3A_92] : memref<1280x128xi32, #tpu.memory_space<hbm>> -> memref<1x128xi32, #tpu.memory_space<hbm>>
        %dma_wait3A_94 = tpu.memref_squeeze %dma_wait3A_93 : memref<1x128xi32, #tpu.memory_space<hbm>> -> memref<128xi32, #tpu.memory_space<hbm>>
        tpu.wait_dma2 semaphore(%run_scoped3A : memref<!tpu.dma_semaphore, #tpu.memory_space<semaphore_mem>>) src(%dma_wait3A_94 : memref<128xi32, #tpu.memory_space<hbm>>) dst(%arg8 : memref<128xi32, #tpu.memory_space<vmem>>)
        tpu.yield
      }) : () -> ()
      %get3A = arith.constant 0 : index
      %get3A_32 = tpu.vector_load %arg7[%get3A] {strides = array<i32>} : memref<128xi32, #tpu.memory_space<vmem>>, vector<16xi32>,
      %add3A_33 = vector.broadcast %mul3A_0 : i32 to vector<16xi32>
      %add3A_34 = arith.addi %get3A_32, %add3A_33 : vector<16xi32>
      %swap3A = arith.constant 0 : index
      %swap3A_35 = tpu.vector_load %arg7[%swap3A] {strides = array<i32>} : memref<128xi32, #tpu.memory_space<vmem>>, vector<16xi32>,
      tpu.vector_store %arg7[%swap3A], %add3A_34 {strides = array<i32>} : memref<128xi32, #tpu.memory_space<vmem>>, vector<16xi32>,
      %get3A_36 = arith.constant 16 : index
      %get3A_37 = tpu.vector_load %arg7[%get3A_36] {strides = array<i32>} : memref<128xi32, #tpu.memory_space<vmem>>, vector<16xi32>,
      %add3A_38 = vector.broadcast %mul3A_0 : i32 to vector<16xi32>
      %add3A_39 = arith.addi %get3A_37, %add3A_38 : vector<16xi32>
      %swap3A_40 = arith.constant 16 : index
      %swap3A_41 = tpu.vector_load %arg7[%swap3A_40] {strides = array<i32>} : memref<128xi32, #tpu.memory_space<vmem>>, vector<16xi32>,
      tpu.vector_store %arg7[%swap3A_40], %add3A_39 {strides = array<i32>} : memref<128xi32, #tpu.memory_space<vmem>>, vector<16xi32>,
      %get3A_42 = arith.constant 32 : index
      %get3A_43 = tpu.vector_load %arg7[%get3A_42] {strides = array<i32>} : memref<128xi32, #tpu.memory_space<vmem>>, vector<16xi32>,
      %add3A_44 = vector.broadcast %mul3A_0 : i32 to vector<16xi32>
      %add3A_45 = arith.addi %get3A_43, %add3A_44 : vector<16xi32>
      %swap3A_46 = arith.constant 32 : index
      %swap3A_47 = tpu.vector_load %arg7[%swap3A_46] {strides = array<i32>} : memref<128xi32, #tpu.memory_space<vmem>>, vector<16xi32>,
      tpu.vector_store %arg7[%swap3A_46], %add3A_45 {strides = array<i32>} : memref<128xi32, #tpu.memory_space<vmem>>, vector<16xi32>,
      %get3A_48 = arith.constant 48 : index
      %get3A_49 = tpu.vector_load %arg7[%get3A_48] {strides = array<i32>} : memref<128xi32, #tpu.memory_space<vmem>>, vector<16xi32>,
      %add3A_50 = vector.broadcast %mul3A_0 : i32 to vector<16xi32>
      %add3A_51 = arith.addi %get3A_49, %add3A_50 : vector<16xi32>
      %swap3A_52 = arith.constant 48 : index
      %swap3A_53 = tpu.vector_load %arg7[%swap3A_52] {strides = array<i32>} : memref<128xi32, #tpu.memory_space<vmem>>, vector<16xi32>,
      tpu.vector_store %arg7[%swap3A_52], %add3A_51 {strides = array<i32>} : memref<128xi32, #tpu.memory_space<vmem>>, vector<16xi32>,
      %get3A_54 = arith.constant 64 : index
      %get3A_55 = tpu.vector_load %arg7[%get3A_54] {strides = array<i32>} : memref<128xi32, #tpu.memory_space<vmem>>, vector<16xi32>,
      %add3A_56 = vector.broadcast %mul3A_0 : i32 to vector<16xi32>
      %add3A_57 = arith.addi %get3A_55, %add3A_56 : vector<16xi32>
      %swap3A_58 = arith.constant 64 : index
      %swap3A_59 = tpu.vector_load %arg7[%swap3A_58] {strides = array<i32>} : memref<128xi32, #tpu.memory_space<vmem>>, vector<16xi32>,
      tpu.vector_store %arg7[%swap3A_58], %add3A_57 {strides = array<i32>} : memref<128xi32, #tpu.memory_space<vmem>>, vector<16xi32>,
      %get3A_60 = arith.constant 80 : index
      %get3A_61 = tpu.vector_load %arg7[%get3A_60] {strides = array<i32>} : memref<128xi32, #tpu.memory_space<vmem>>, vector<16xi32>,
      %add3A_62 = vector.broadcast %mul3A_0 : i32 to vector<16xi32>
      %add3A_63 = arith.addi %get3A_61, %add3A_62 : vector<16xi32>
      %swap3A_64 = arith.constant 80 : index
      %swap3A_65 = tpu.vector_load %arg7[%swap3A_64] {strides = array<i32>} : memref<128xi32, #tpu.memory_space<vmem>>, vector<16xi32>,
      tpu.vector_store %arg7[%swap3A_64], %add3A_63 {strides = array<i32>} : memref<128xi32, #tpu.memory_space<vmem>>, vector<16xi32>,
      %get3A_66 = arith.constant 96 : index
      %get3A_67 = tpu.vector_load %arg7[%get3A_66] {strides = array<i32>} : memref<128xi32, #tpu.memory_space<vmem>>, vector<16xi32>,
      %add3A_68 = vector.broadcast %mul3A_0 : i32 to vector<16xi32>
      %add3A_69 = arith.addi %get3A_67, %add3A_68 : vector<16xi32>
      %swap3A_70 = arith.constant 96 : index
      %swap3A_71 = tpu.vector_load %arg7[%swap3A_70] {strides = array<i32>} : memref<128xi32, #tpu.memory_space<vmem>>, vector<16xi32>,
      tpu.vector_store %arg7[%swap3A_70], %add3A_69 {strides = array<i32>} : memref<128xi32, #tpu.memory_space<vmem>>, vector<16xi32>,
      %get3A_72 = arith.constant 112 : index
      %get3A_73 = tpu.vector_load %arg7[%get3A_72] {strides = array<i32>} : memref<128xi32, #tpu.memory_space<vmem>>, vector<16xi32>,
      %add3A_74 = vector.broadcast %mul3A_0 : i32 to vector<16xi32>
      %add3A_75 = arith.addi %get3A_73, %add3A_74 : vector<16xi32>
      %swap3A_76 = arith.constant 112 : index
      %swap3A_77 = tpu.vector_load %arg7[%swap3A_76] {strides = array<i32>} : memref<128xi32, #tpu.memory_space<vmem>>, vector<16xi32>,
      tpu.vector_store %arg7[%swap3A_76], %add3A_75 {strides = array<i32>} : memref<128xi32, #tpu.memory_space<vmem>>, vector<16xi32>,
      %dma_start3A = arith.constant 0 : i32
      %dma_start3A_78 = arith.constant 0 : i32
      %dma_start3A_79 = tpu.memref_slice %arg2[%dma_start3A, %dma_start3A_78] : memref<20480x128xf32, #tpu.memory_space<hbm>> -> memref<20480x128xf32, #tpu.memory_space<hbm>>
      tpu.enqueue_indirect_dma source(%dma_start3A_79 : memref<20480x128xf32, #tpu.memory_space<hbm>>) target(%arg9 : memref<128x128xf32, #tpu.memory_space<vmem>>) offsets(%arg7 : memref<128xi32, #tpu.memory_space<vmem>>) semaphore(%arg11 : memref<!tpu.dma_semaphore, #tpu.memory_space<semaphore_mem>>)
      %dma_wait3A = arith.constant 0 : i32
      %dma_wait3A_80 = arith.constant 0 : i32
      %dma_wait3A_81 = tpu.memref_slice %arg2[%dma_wait3A, %dma_wait3A_80] : memref<20480x128xf32, #tpu.memory_space<hbm>> -> memref<20480x128xf32, #tpu.memory_space<hbm>>
      tpu.wait_indirect_dma semaphore(%arg11 : memref<!tpu.dma_semaphore, #tpu.memory_space<semaphore_mem>>) src(%dma_wait3A_81 : memref<20480x128xf32, #tpu.memory_space<hbm>>) dst(%arg9 : memref<128x128xf32, #tpu.memory_space<vmem>>)
      "tpu.region"() ({
        %run_scoped3A = tpu.sem_alloc : memref<!tpu.dma_semaphore, #tpu.memory_space<semaphore_mem>>
        %dma_start3A_83 = arith.constant 0 : i32
        %dma_start3A_84 = arith.constant 0 : i32
        %dma_start3A_85 = tpu.memref_slice %arg10[%dma_start3A_83, %dma_start3A_84] : memref<10240x128xf32, #tpu.memory_space<vmem_shared>> -> memref<10240x128xf32, #tpu.memory_space<vmem_shared>>
        tpu.enqueue_indirect_dma source(%arg9 : memref<128x128xf32, #tpu.memory_space<vmem>>) target(%dma_start3A_85 : memref<10240x128xf32, #tpu.memory_space<vmem_shared>>) offsets(%arg8 : memref<128xi32, #tpu.memory_space<vmem>>) semaphore(%run_scoped3A : memref<!tpu.dma_semaphore, #tpu.memory_space<semaphore_mem>>) {add = true}
        %dma_wait3A_86 = arith.constant 0 : i32
        %dma_wait3A_87 = arith.constant 0 : i32
        %dma_wait3A_88 = tpu.memref_slice %arg10[%dma_wait3A_86, %dma_wait3A_87] : memref<10240x128xf32, #tpu.memory_space<vmem_shared>> -> memref<10240x128xf32, #tpu.memory_space<vmem_shared>>
        tpu.wait_indirect_dma semaphore(%run_scoped3A : memref<!tpu.dma_semaphore, #tpu.memory_space<semaphore_mem>>) src(%arg9 : memref<128x128xf32, #tpu.memory_space<vmem>>) dst(%dma_wait3A_88 : memref<10240x128xf32, #tpu.memory_space<vmem_shared>>)
        tpu.yield
      }) : () -> ()
      %while3A_82 = arith.constant 0 : i32
      scf.yield %while3A_82 : i32
    }
    %barrier3A_21 = arith.constant 0 : index
    tpu.barrier barrier_id(%barrier3A_21)
    %mul3A_22 = arith.constant 640 : i32
    %mul3A_23 = arith.muli %arg1, %mul3A_22 : i32
    %mul3A_24 = arith.constant 10240 : i32
    %mul3A_25 = arith.muli %arg0, %mul3A_24 : i32
    %mul3A_26 = arith.constant 640 : i32
    %mul3A_27 = arith.muli %arg1, %mul3A_26 : i32
    %add3A_28 = arith.addi %mul3A_25, %mul3A_27 : i32
    "tpu.region"() ({
      %run_scoped3A = tpu.sem_alloc : memref<!tpu.dma_semaphore, #tpu.memory_space<semaphore_mem>>
      %dma_start3A = arith.constant 0 : i32
      %dma_start3A_29 = tpu.memref_slice %arg6[%add3A_28, %dma_start3A] : memref<20480x128xf32, #tpu.memory_space<hbm>> -> memref<640x128xf32, #tpu.memory_space<hbm>>
      %dma_start3A_30 = arith.constant 0 : i32
      %dma_start3A_31 = tpu.memref_slice %arg10[%mul3A_23, %dma_start3A_30] : memref<10240x128xf32, #tpu.memory_space<vmem_shared>> -> memref<640x128xf32, #tpu.memory_space<vmem_shared>>
      tpu.enqueue_dma source(%dma_start3A_31 : memref<640x128xf32, #tpu.memory_space<vmem_shared>>) target(%dma_start3A_29 : memref<640x128xf32, #tpu.memory_space<hbm>>) target_semaphore(%run_scoped3A : memref<!tpu.dma_semaphore, #tpu.memory_space<semaphore_mem>>)
      %dma_wait3A = arith.constant 0 : i32
      %dma_wait3A_32 = tpu.memref_slice %arg6[%add3A_28, %dma_wait3A] : memref<20480x128xf32, #tpu.memory_space<hbm>> -> memref<640x128xf32, #tpu.memory_space<hbm>>
      %dma_wait3A_33 = arith.constant 0 : i32
      %dma_wait3A_34 = tpu.memref_slice %arg10[%mul3A_23, %dma_wait3A_33] : memref<10240x128xf32, #tpu.memory_space<vmem_shared>> -> memref<640x128xf32, #tpu.memory_space<vmem_shared>>
      tpu.wait_dma2 semaphore(%run_scoped3A : memref<!tpu.dma_semaphore, #tpu.memory_space<semaphore_mem>>) src(%dma_wait3A_34 : memref<640x128xf32, #tpu.memory_space<vmem_shared>>) dst(%dma_wait3A_32 : memref<640x128xf32, #tpu.memory_space<hbm>>)
      tpu.yield
    }) : () -> ()
    return
  }
}

#map = affine_map<(d0, d1) -> (0, 0)>
module attributes {stable_mosaic.version = 14 : i64} {
  func.func @_agg_body(%arg0: i32, %arg1: i32, %arg2: memref<20480x128xf32, #tpu.memory_space<hbm>>, %arg3: memref<1280x128xi32, #tpu.memory_space<hbm>>, %arg4: memref<1280x128xi32, #tpu.memory_space<hbm>>, %arg5: memref<640x128xf32, #tpu.memory_space<hbm>>, %arg6: memref<20480x128xf32, #tpu.memory_space<hbm>>, %arg7: memref<128xi32, #tpu.memory_space<vmem>>, %arg8: memref<128xi32, #tpu.memory_space<vmem>>, %arg9: memref<128x128xf32, #tpu.memory_space<vmem>>, %arg10: memref<10240x128xf32, #tpu.memory_space<vmem_shared>>, %arg11: memref<!tpu.dma_semaphore, #tpu.memory_space<semaphore_mem>>) attributes {dimension_semantics = [#tpu.dimension_semantics<core_parallel>, #tpu.dimension_semantics<subcore_parallel>], iteration_bounds = array<i64: 2, 16>, scalar_prefetch = 0 : i64, scratch_operands = 5 : i64, tpu.core_type = #tpu.core_type<sc_vector_subcore>, window_params = [{transform_indices = #map}, {transform_indices = #map}, {transform_indices = #map}, {transform_indices = #map}, {transform_indices = #map}]} {
    %mul3A = arith.constant 10240 : i32
    %mul3A_0 = arith.muli %arg0, %mul3A : i32
    %mul3A_1 = arith.constant 640 : i32
    %mul3A_2 = arith.muli %arg1, %mul3A_1 : i32
    "tpu.region"() ({
      %run_scoped3A = tpu.sem_alloc : memref<!tpu.dma_semaphore, #tpu.memory_space<semaphore_mem>>
      %dma_start3A = arith.constant 0 : i32
      %dma_start3A_29 = tpu.memref_slice %arg10[%mul3A_2, %dma_start3A] : memref<10240x128xf32, #tpu.memory_space<vmem_shared>> -> memref<640x128xf32, #tpu.memory_space<vmem_shared>>
      tpu.enqueue_dma source(%arg5 : memref<640x128xf32, #tpu.memory_space<hbm>>) target(%dma_start3A_29 : memref<640x128xf32, #tpu.memory_space<vmem_shared>>) target_semaphore(%run_scoped3A : memref<!tpu.dma_semaphore, #tpu.memory_space<semaphore_mem>>)
      %dma_wait3A = arith.constant 0 : i32
      %dma_wait3A_30 = tpu.memref_slice %arg10[%mul3A_2, %dma_wait3A] : memref<10240x128xf32, #tpu.memory_space<vmem_shared>> -> memref<640x128xf32, #tpu.memory_space<vmem_shared>>
      tpu.wait_dma2 semaphore(%run_scoped3A : memref<!tpu.dma_semaphore, #tpu.memory_space<semaphore_mem>>) src(%arg5 : memref<640x128xf32, #tpu.memory_space<hbm>>) dst(%dma_wait3A_30 : memref<640x128xf32, #tpu.memory_space<vmem_shared>>)
      tpu.yield
    }) : () -> ()
    %barrier3A = arith.constant 0 : index
    tpu.barrier barrier_id(%barrier3A)
    %lt3A = arith.constant 2 : i32
    %lt3A_3 = arith.cmpi slt, %arg1, %lt3A : i32
    %jit3A = arith.constant 1 : i32
    %jit3A_4 = arith.constant 0 : i32
    %select_n3A = arith.select %lt3A_3, %jit3A, %jit3A_4 : i32
    %add3A = arith.constant 78 : i32
    %add3A_5 = arith.addi %add3A, %select_n3A : i32
    %mul3A_6 = arith.constant 78 : i32
    %mul3A_7 = arith.muli %arg1, %mul3A_6 : i32
    %min3A = arith.constant 2 : i32
    %min3A_8 = arith.minsi %arg1, %min3A : i32
    %add3A_9 = arith.addi %mul3A_7, %min3A_8 : i32
    %while3A = arith.constant 0 : i32
    %while3A_10 = arith.constant 0 : i32
    %while3A_11 = arith.subi %add3A_5, %while3A : i32
    %while3A_12 = arith.addi %while3A, %while3A_11 : i32
    %while3A_13 = arith.constant 1 : i32
    %while3A_14 = arith.divsi %while3A_11, %while3A_13 : i32
    %while3A_15 = arith.muli %while3A_14, %while3A_13 : i32
    %while3A_16 = arith.addi %while3A, %while3A_15 : i32
    %while3A_17 = arith.constant 1 : i32
    %while3A_18 = scf.for %while3A_29 = %while3A to %while3A_16 step %while3A_17 iter_args(%while3A_30 = %while3A_10) -> (i32)  : i32 {
      %add3A_31 = arith.addi %add3A_9, %while3A_29 : i32
      "tpu.region"() ({
        %run_scoped3A = tpu.sem_alloc : memref<!tpu.dma_semaphore, #tpu.memory_space<semaphore_mem>>
        %dma_start3A_83 = arith.constant 0 : i32
        %dma_start3A_84 = tpu.memref_slice %arg3[%add3A_31, %dma_start3A_83] : memref<1280x128xi32, #tpu.memory_space<hbm>> -> memref<1x128xi32, #tpu.memory_space<hbm>>
        %dma_start3A_85 = tpu.memref_squeeze %dma_start3A_84 : memref<1x128xi32, #tpu.memory_space<hbm>> -> memref<128xi32, #tpu.memory_space<hbm>>
        %dma_start3A_86 = arith.constant 0 : i32
        %dma_start3A_87 = tpu.memref_slice %arg3[%add3A_31, %dma_start3A_86] : memref<1280x128xi32, #tpu.memory_space<hbm>> -> memref<1x128xi32, #tpu.memory_space<hbm>>
        %dma_start3A_88 = tpu.memref_squeeze %dma_start3A_87 : memref<1x128xi32, #tpu.memory_space<hbm>> -> memref<128xi32, #tpu.memory_space<hbm>>
        tpu.enqueue_dma source(%dma_start3A_88 : memref<128xi32, #tpu.memory_space<hbm>>) target(%arg7 : memref<128xi32, #tpu.memory_space<vmem>>) target_semaphore(%run_scoped3A : memref<!tpu.dma_semaphore, #tpu.memory_space<semaphore_mem>>)
        %dma_wait3A_89 = arith.constant 0 : i32
        %dma_wait3A_90 = tpu.memref_slice %arg3[%add3A_31, %dma_wait3A_89] : memref<1280x128xi32, #tpu.memory_space<hbm>> -> memref<1x128xi32, #tpu.memory_space<hbm>>
        %dma_wait3A_91 = tpu.memref_squeeze %dma_wait3A_90 : memref<1x128xi32, #tpu.memory_space<hbm>> -> memref<128xi32, #tpu.memory_space<hbm>>
        %dma_wait3A_92 = arith.constant 0 : i32
        %dma_wait3A_93 = tpu.memref_slice %arg3[%add3A_31, %dma_wait3A_92] : memref<1280x128xi32, #tpu.memory_space<hbm>> -> memref<1x128xi32, #tpu.memory_space<hbm>>
        %dma_wait3A_94 = tpu.memref_squeeze %dma_wait3A_93 : memref<1x128xi32, #tpu.memory_space<hbm>> -> memref<128xi32, #tpu.memory_space<hbm>>
        tpu.wait_dma2 semaphore(%run_scoped3A : memref<!tpu.dma_semaphore, #tpu.memory_space<semaphore_mem>>) src(%dma_wait3A_94 : memref<128xi32, #tpu.memory_space<hbm>>) dst(%arg7 : memref<128xi32, #tpu.memory_space<vmem>>)
        tpu.yield
      }) : () -> ()
      "tpu.region"() ({
        %run_scoped3A = tpu.sem_alloc : memref<!tpu.dma_semaphore, #tpu.memory_space<semaphore_mem>>
        %dma_start3A_83 = arith.constant 0 : i32
        %dma_start3A_84 = tpu.memref_slice %arg4[%add3A_31, %dma_start3A_83] : memref<1280x128xi32, #tpu.memory_space<hbm>> -> memref<1x128xi32, #tpu.memory_space<hbm>>
        %dma_start3A_85 = tpu.memref_squeeze %dma_start3A_84 : memref<1x128xi32, #tpu.memory_space<hbm>> -> memref<128xi32, #tpu.memory_space<hbm>>
        %dma_start3A_86 = arith.constant 0 : i32
        %dma_start3A_87 = tpu.memref_slice %arg4[%add3A_31, %dma_start3A_86] : memref<1280x128xi32, #tpu.memory_space<hbm>> -> memref<1x128xi32, #tpu.memory_space<hbm>>
        %dma_start3A_88 = tpu.memref_squeeze %dma_start3A_87 : memref<1x128xi32, #tpu.memory_space<hbm>> -> memref<128xi32, #tpu.memory_space<hbm>>
        tpu.enqueue_dma source(%dma_start3A_88 : memref<128xi32, #tpu.memory_space<hbm>>) target(%arg8 : memref<128xi32, #tpu.memory_space<vmem>>) target_semaphore(%run_scoped3A : memref<!tpu.dma_semaphore, #tpu.memory_space<semaphore_mem>>)
        %dma_wait3A_89 = arith.constant 0 : i32
        %dma_wait3A_90 = tpu.memref_slice %arg4[%add3A_31, %dma_wait3A_89] : memref<1280x128xi32, #tpu.memory_space<hbm>> -> memref<1x128xi32, #tpu.memory_space<hbm>>
        %dma_wait3A_91 = tpu.memref_squeeze %dma_wait3A_90 : memref<1x128xi32, #tpu.memory_space<hbm>> -> memref<128xi32, #tpu.memory_space<hbm>>
        %dma_wait3A_92 = arith.constant 0 : i32
        %dma_wait3A_93 = tpu.memref_slice %arg4[%add3A_31, %dma_wait3A_92] : memref<1280x128xi32, #tpu.memory_space<hbm>> -> memref<1x128xi32, #tpu.memory_space<hbm>>
        %dma_wait3A_94 = tpu.memref_squeeze %dma_wait3A_93 : memref<1x128xi32, #tpu.memory_space<hbm>> -> memref<128xi32, #tpu.memory_space<hbm>>
        tpu.wait_dma2 semaphore(%run_scoped3A : memref<!tpu.dma_semaphore, #tpu.memory_space<semaphore_mem>>) src(%dma_wait3A_94 : memref<128xi32, #tpu.memory_space<hbm>>) dst(%arg8 : memref<128xi32, #tpu.memory_space<vmem>>)
        tpu.yield
      }) : () -> ()
      %get3A = arith.constant 0 : index
      %get3A_32 = tpu.vector_load %arg7[%get3A] {strides = array<i32>} : memref<128xi32, #tpu.memory_space<vmem>>, vector<16xi32>,
      %add3A_33 = vector.broadcast %mul3A_0 : i32 to vector<16xi32>
      %add3A_34 = arith.addi %get3A_32, %add3A_33 : vector<16xi32>
      %swap3A = arith.constant 0 : index
      %swap3A_35 = tpu.vector_load %arg7[%swap3A] {strides = array<i32>} : memref<128xi32, #tpu.memory_space<vmem>>, vector<16xi32>,
      tpu.vector_store %arg7[%swap3A], %add3A_34 {strides = array<i32>} : memref<128xi32, #tpu.memory_space<vmem>>, vector<16xi32>,
      %get3A_36 = arith.constant 16 : index
      %get3A_37 = tpu.vector_load %arg7[%get3A_36] {strides = array<i32>} : memref<128xi32, #tpu.memory_space<vmem>>, vector<16xi32>,
      %add3A_38 = vector.broadcast %mul3A_0 : i32 to vector<16xi32>
      %add3A_39 = arith.addi %get3A_37, %add3A_38 : vector<16xi32>
      %swap3A_40 = arith.constant 16 : index
      %swap3A_41 = tpu.vector_load %arg7[%swap3A_40] {strides = array<i32>} : memref<128xi32, #tpu.memory_space<vmem>>, vector<16xi32>,
      tpu.vector_store %arg7[%swap3A_40], %add3A_39 {strides = array<i32>} : memref<128xi32, #tpu.memory_space<vmem>>, vector<16xi32>,
      %get3A_42 = arith.constant 32 : index
      %get3A_43 = tpu.vector_load %arg7[%get3A_42] {strides = array<i32>} : memref<128xi32, #tpu.memory_space<vmem>>, vector<16xi32>,
      %add3A_44 = vector.broadcast %mul3A_0 : i32 to vector<16xi32>
      %add3A_45 = arith.addi %get3A_43, %add3A_44 : vector<16xi32>
      %swap3A_46 = arith.constant 32 : index
      %swap3A_47 = tpu.vector_load %arg7[%swap3A_46] {strides = array<i32>} : memref<128xi32, #tpu.memory_space<vmem>>, vector<16xi32>,
      tpu.vector_store %arg7[%swap3A_46], %add3A_45 {strides = array<i32>} : memref<128xi32, #tpu.memory_space<vmem>>, vector<16xi32>,
      %get3A_48 = arith.constant 48 : index
      %get3A_49 = tpu.vector_load %arg7[%get3A_48] {strides = array<i32>} : memref<128xi32, #tpu.memory_space<vmem>>, vector<16xi32>,
      %add3A_50 = vector.broadcast %mul3A_0 : i32 to vector<16xi32>
      %add3A_51 = arith.addi %get3A_49, %add3A_50 : vector<16xi32>
      %swap3A_52 = arith.constant 48 : index
      %swap3A_53 = tpu.vector_load %arg7[%swap3A_52] {strides = array<i32>} : memref<128xi32, #tpu.memory_space<vmem>>, vector<16xi32>,
      tpu.vector_store %arg7[%swap3A_52], %add3A_51 {strides = array<i32>} : memref<128xi32, #tpu.memory_space<vmem>>, vector<16xi32>,
      %get3A_54 = arith.constant 64 : index
      %get3A_55 = tpu.vector_load %arg7[%get3A_54] {strides = array<i32>} : memref<128xi32, #tpu.memory_space<vmem>>, vector<16xi32>,
      %add3A_56 = vector.broadcast %mul3A_0 : i32 to vector<16xi32>
      %add3A_57 = arith.addi %get3A_55, %add3A_56 : vector<16xi32>
      %swap3A_58 = arith.constant 64 : index
      %swap3A_59 = tpu.vector_load %arg7[%swap3A_58] {strides = array<i32>} : memref<128xi32, #tpu.memory_space<vmem>>, vector<16xi32>,
      tpu.vector_store %arg7[%swap3A_58], %add3A_57 {strides = array<i32>} : memref<128xi32, #tpu.memory_space<vmem>>, vector<16xi32>,
      %get3A_60 = arith.constant 80 : index
      %get3A_61 = tpu.vector_load %arg7[%get3A_60] {strides = array<i32>} : memref<128xi32, #tpu.memory_space<vmem>>, vector<16xi32>,
      %add3A_62 = vector.broadcast %mul3A_0 : i32 to vector<16xi32>
      %add3A_63 = arith.addi %get3A_61, %add3A_62 : vector<16xi32>
      %swap3A_64 = arith.constant 80 : index
      %swap3A_65 = tpu.vector_load %arg7[%swap3A_64] {strides = array<i32>} : memref<128xi32, #tpu.memory_space<vmem>>, vector<16xi32>,
      tpu.vector_store %arg7[%swap3A_64], %add3A_63 {strides = array<i32>} : memref<128xi32, #tpu.memory_space<vmem>>, vector<16xi32>,
      %get3A_66 = arith.constant 96 : index
      %get3A_67 = tpu.vector_load %arg7[%get3A_66] {strides = array<i32>} : memref<128xi32, #tpu.memory_space<vmem>>, vector<16xi32>,
      %add3A_68 = vector.broadcast %mul3A_0 : i32 to vector<16xi32>
      %add3A_69 = arith.addi %get3A_67, %add3A_68 : vector<16xi32>
      %swap3A_70 = arith.constant 96 : index
      %swap3A_71 = tpu.vector_load %arg7[%swap3A_70] {strides = array<i32>} : memref<128xi32, #tpu.memory_space<vmem>>, vector<16xi32>,
      tpu.vector_store %arg7[%swap3A_70], %add3A_69 {strides = array<i32>} : memref<128xi32, #tpu.memory_space<vmem>>, vector<16xi32>,
      %get3A_72 = arith.constant 112 : index
      %get3A_73 = tpu.vector_load %arg7[%get3A_72] {strides = array<i32>} : memref<128xi32, #tpu.memory_space<vmem>>, vector<16xi32>,
      %add3A_74 = vector.broadcast %mul3A_0 : i32 to vector<16xi32>
      %add3A_75 = arith.addi %get3A_73, %add3A_74 : vector<16xi32>
      %swap3A_76 = arith.constant 112 : index
      %swap3A_77 = tpu.vector_load %arg7[%swap3A_76] {strides = array<i32>} : memref<128xi32, #tpu.memory_space<vmem>>, vector<16xi32>,
      tpu.vector_store %arg7[%swap3A_76], %add3A_75 {strides = array<i32>} : memref<128xi32, #tpu.memory_space<vmem>>, vector<16xi32>,
      %dma_start3A = arith.constant 0 : i32
      %dma_start3A_78 = arith.constant 0 : i32
      %dma_start3A_79 = tpu.memref_slice %arg2[%dma_start3A, %dma_start3A_78] : memref<20480x128xf32, #tpu.memory_space<hbm>> -> memref<20480x128xf32, #tpu.memory_space<hbm>>
      tpu.enqueue_indirect_dma source(%dma_start3A_79 : memref<20480x128xf32, #tpu.memory_space<hbm>>) target(%arg9 : memref<128x128xf32, #tpu.memory_space<vmem>>) offsets(%arg7 : memref<128xi32, #tpu.memory_space<vmem>>) semaphore(%arg11 : memref<!tpu.dma_semaphore, #tpu.memory_space<semaphore_mem>>)
      %dma_wait3A = arith.constant 0 : i32
      %dma_wait3A_80 = arith.constant 0 : i32
      %dma_wait3A_81 = tpu.memref_slice %arg2[%dma_wait3A, %dma_wait3A_80] : memref<20480x128xf32, #tpu.memory_space<hbm>> -> memref<20480x128xf32, #tpu.memory_space<hbm>>
      tpu.wait_indirect_dma semaphore(%arg11 : memref<!tpu.dma_semaphore, #tpu.memory_space<semaphore_mem>>) src(%dma_wait3A_81 : memref<20480x128xf32, #tpu.memory_space<hbm>>) dst(%arg9 : memref<128x128xf32, #tpu.memory_space<vmem>>)
      "tpu.region"() ({
        %run_scoped3A = tpu.sem_alloc : memref<!tpu.dma_semaphore, #tpu.memory_space<semaphore_mem>>
        %dma_start3A_83 = arith.constant 0 : i32
        %dma_start3A_84 = arith.constant 0 : i32
        %dma_start3A_85 = tpu.memref_slice %arg10[%dma_start3A_83, %dma_start3A_84] : memref<10240x128xf32, #tpu.memory_space<vmem_shared>> -> memref<10240x128xf32, #tpu.memory_space<vmem_shared>>
        tpu.enqueue_indirect_dma source(%arg9 : memref<128x128xf32, #tpu.memory_space<vmem>>) target(%dma_start3A_85 : memref<10240x128xf32, #tpu.memory_space<vmem_shared>>) offsets(%arg8 : memref<128xi32, #tpu.memory_space<vmem>>) semaphore(%run_scoped3A : memref<!tpu.dma_semaphore, #tpu.memory_space<semaphore_mem>>) {add = true}
        %dma_wait3A_86 = arith.constant 0 : i32
        %dma_wait3A_87 = arith.constant 0 : i32
        %dma_wait3A_88 = tpu.memref_slice %arg10[%dma_wait3A_86, %dma_wait3A_87] : memref<10240x128xf32, #tpu.memory_space<vmem_shared>> -> memref<10240x128xf32, #tpu.memory_space<vmem_shared>>
        tpu.wait_indirect_dma semaphore(%run_scoped3A : memref<!tpu.dma_semaphore, #tpu.memory_space<semaphore_mem>>) src(%arg9 : memref<128x128xf32, #tpu.memory_space<vmem>>) dst(%dma_wait3A_88 : memref<10240x128xf32, #tpu.memory_space<vmem_shared>>)
        tpu.yield
      }) : () -> ()
      %while3A_82 = arith.constant 0 : i32
      scf.yield %while3A_82 : i32
    }
    %while3A_19 = arith.constant 1 : i32
    %while3A_20 = scf.for %while3A_29 = %while3A_16 to %while3A_12 step %while3A_19 iter_args(%while3A_30 = %while3A_18) -> (i32)  : i32 {
      %add3A_31 = arith.addi %add3A_9, %while3A_29 : i32
      "tpu.region"() ({
        %run_scoped3A = tpu.sem_alloc : memref<!tpu.dma_semaphore, #tpu.memory_space<semaphore_mem>>
        %dma_start3A_83 = arith.constant 0 : i32
        %dma_start3A_84 = tpu.memref_slice %arg3[%add3A_31, %dma_start3A_83] : memref<1280x128xi32, #tpu.memory_space<hbm>> -> memref<1x128xi32, #tpu.memory_space<hbm>>
        %dma_start3A_85 = tpu.memref_squeeze %dma_start3A_84 : memref<1x128xi32, #tpu.memory_space<hbm>> -> memref<128xi32, #tpu.memory_space<hbm>>
        %dma_start3A_86 = arith.constant 0 : i32
        %dma_start3A_87 = tpu.memref_slice %arg3[%add3A_31, %dma_start3A_86] : memref<1280x128xi32, #tpu.memory_space<hbm>> -> memref<1x128xi32, #tpu.memory_space<hbm>>
        %dma_start3A_88 = tpu.memref_squeeze %dma_start3A_87 : memref<1x128xi32, #tpu.memory_space<hbm>> -> memref<128xi32, #tpu.memory_space<hbm>>
        tpu.enqueue_dma source(%dma_start3A_88 : memref<128xi32, #tpu.memory_space<hbm>>) target(%arg7 : memref<128xi32, #tpu.memory_space<vmem>>) target_semaphore(%run_scoped3A : memref<!tpu.dma_semaphore, #tpu.memory_space<semaphore_mem>>)
        %dma_wait3A_89 = arith.constant 0 : i32
        %dma_wait3A_90 = tpu.memref_slice %arg3[%add3A_31, %dma_wait3A_89] : memref<1280x128xi32, #tpu.memory_space<hbm>> -> memref<1x128xi32, #tpu.memory_space<hbm>>
        %dma_wait3A_91 = tpu.memref_squeeze %dma_wait3A_90 : memref<1x128xi32, #tpu.memory_space<hbm>> -> memref<128xi32, #tpu.memory_space<hbm>>
        %dma_wait3A_92 = arith.constant 0 : i32
        %dma_wait3A_93 = tpu.memref_slice %arg3[%add3A_31, %dma_wait3A_92] : memref<1280x128xi32, #tpu.memory_space<hbm>> -> memref<1x128xi32, #tpu.memory_space<hbm>>
        %dma_wait3A_94 = tpu.memref_squeeze %dma_wait3A_93 : memref<1x128xi32, #tpu.memory_space<hbm>> -> memref<128xi32, #tpu.memory_space<hbm>>
        tpu.wait_dma2 semaphore(%run_scoped3A : memref<!tpu.dma_semaphore, #tpu.memory_space<semaphore_mem>>) src(%dma_wait3A_94 : memref<128xi32, #tpu.memory_space<hbm>>) dst(%arg7 : memref<128xi32, #tpu.memory_space<vmem>>)
        tpu.yield
      }) : () -> ()
      "tpu.region"() ({
        %run_scoped3A = tpu.sem_alloc : memref<!tpu.dma_semaphore, #tpu.memory_space<semaphore_mem>>
        %dma_start3A_83 = arith.constant 0 : i32
        %dma_start3A_84 = tpu.memref_slice %arg4[%add3A_31, %dma_start3A_83] : memref<1280x128xi32, #tpu.memory_space<hbm>> -> memref<1x128xi32, #tpu.memory_space<hbm>>
        %dma_start3A_85 = tpu.memref_squeeze %dma_start3A_84 : memref<1x128xi32, #tpu.memory_space<hbm>> -> memref<128xi32, #tpu.memory_space<hbm>>
        %dma_start3A_86 = arith.constant 0 : i32
        %dma_start3A_87 = tpu.memref_slice %arg4[%add3A_31, %dma_start3A_86] : memref<1280x128xi32, #tpu.memory_space<hbm>> -> memref<1x128xi32, #tpu.memory_space<hbm>>
        %dma_start3A_88 = tpu.memref_squeeze %dma_start3A_87 : memref<1x128xi32, #tpu.memory_space<hbm>> -> memref<128xi32, #tpu.memory_space<hbm>>
        tpu.enqueue_dma source(%dma_start3A_88 : memref<128xi32, #tpu.memory_space<hbm>>) target(%arg8 : memref<128xi32, #tpu.memory_space<vmem>>) target_semaphore(%run_scoped3A : memref<!tpu.dma_semaphore, #tpu.memory_space<semaphore_mem>>)
        %dma_wait3A_89 = arith.constant 0 : i32
        %dma_wait3A_90 = tpu.memref_slice %arg4[%add3A_31, %dma_wait3A_89] : memref<1280x128xi32, #tpu.memory_space<hbm>> -> memref<1x128xi32, #tpu.memory_space<hbm>>
        %dma_wait3A_91 = tpu.memref_squeeze %dma_wait3A_90 : memref<1x128xi32, #tpu.memory_space<hbm>> -> memref<128xi32, #tpu.memory_space<hbm>>
        %dma_wait3A_92 = arith.constant 0 : i32
        %dma_wait3A_93 = tpu.memref_slice %arg4[%add3A_31, %dma_wait3A_92] : memref<1280x128xi32, #tpu.memory_space<hbm>> -> memref<1x128xi32, #tpu.memory_space<hbm>>
        %dma_wait3A_94 = tpu.memref_squeeze %dma_wait3A_93 : memref<1x128xi32, #tpu.memory_space<hbm>> -> memref<128xi32, #tpu.memory_space<hbm>>
        tpu.wait_dma2 semaphore(%run_scoped3A : memref<!tpu.dma_semaphore, #tpu.memory_space<semaphore_mem>>) src(%dma_wait3A_94 : memref<128xi32, #tpu.memory_space<hbm>>) dst(%arg8 : memref<128xi32, #tpu.memory_space<vmem>>)
        tpu.yield
      }) : () -> ()
      %get3A = arith.constant 0 : index
      %get3A_32 = tpu.vector_load %arg7[%get3A] {strides = array<i32>} : memref<128xi32, #tpu.memory_space<vmem>>, vector<16xi32>,
      %add3A_33 = vector.broadcast %mul3A_0 : i32 to vector<16xi32>
      %add3A_34 = arith.addi %get3A_32, %add3A_33 : vector<16xi32>
      %swap3A = arith.constant 0 : index
      %swap3A_35 = tpu.vector_load %arg7[%swap3A] {strides = array<i32>} : memref<128xi32, #tpu.memory_space<vmem>>, vector<16xi32>,
      tpu.vector_store %arg7[%swap3A], %add3A_34 {strides = array<i32>} : memref<128xi32, #tpu.memory_space<vmem>>, vector<16xi32>,
      %get3A_36 = arith.constant 16 : index
      %get3A_37 = tpu.vector_load %arg7[%get3A_36] {strides = array<i32>} : memref<128xi32, #tpu.memory_space<vmem>>, vector<16xi32>,
      %add3A_38 = vector.broadcast %mul3A_0 : i32 to vector<16xi32>
      %add3A_39 = arith.addi %get3A_37, %add3A_38 : vector<16xi32>
      %swap3A_40 = arith.constant 16 : index
      %swap3A_41 = tpu.vector_load %arg7[%swap3A_40] {strides = array<i32>} : memref<128xi32, #tpu.memory_space<vmem>>, vector<16xi32>,
      tpu.vector_store %arg7[%swap3A_40], %add3A_39 {strides = array<i32>} : memref<128xi32, #tpu.memory_space<vmem>>, vector<16xi32>,
      %get3A_42 = arith.constant 32 : index
      %get3A_43 = tpu.vector_load %arg7[%get3A_42] {strides = array<i32>} : memref<128xi32, #tpu.memory_space<vmem>>, vector<16xi32>,
      %add3A_44 = vector.broadcast %mul3A_0 : i32 to vector<16xi32>
      %add3A_45 = arith.addi %get3A_43, %add3A_44 : vector<16xi32>
      %swap3A_46 = arith.constant 32 : index
      %swap3A_47 = tpu.vector_load %arg7[%swap3A_46] {strides = array<i32>} : memref<128xi32, #tpu.memory_space<vmem>>, vector<16xi32>,
      tpu.vector_store %arg7[%swap3A_46], %add3A_45 {strides = array<i32>} : memref<128xi32, #tpu.memory_space<vmem>>, vector<16xi32>,
      %get3A_48 = arith.constant 48 : index
      %get3A_49 = tpu.vector_load %arg7[%get3A_48] {strides = array<i32>} : memref<128xi32, #tpu.memory_space<vmem>>, vector<16xi32>,
      %add3A_50 = vector.broadcast %mul3A_0 : i32 to vector<16xi32>
      %add3A_51 = arith.addi %get3A_49, %add3A_50 : vector<16xi32>
      %swap3A_52 = arith.constant 48 : index
      %swap3A_53 = tpu.vector_load %arg7[%swap3A_52] {strides = array<i32>} : memref<128xi32, #tpu.memory_space<vmem>>, vector<16xi32>,
      tpu.vector_store %arg7[%swap3A_52], %add3A_51 {strides = array<i32>} : memref<128xi32, #tpu.memory_space<vmem>>, vector<16xi32>,
      %get3A_54 = arith.constant 64 : index
      %get3A_55 = tpu.vector_load %arg7[%get3A_54] {strides = array<i32>} : memref<128xi32, #tpu.memory_space<vmem>>, vector<16xi32>,
      %add3A_56 = vector.broadcast %mul3A_0 : i32 to vector<16xi32>
      %add3A_57 = arith.addi %get3A_55, %add3A_56 : vector<16xi32>
      %swap3A_58 = arith.constant 64 : index
      %swap3A_59 = tpu.vector_load %arg7[%swap3A_58] {strides = array<i32>} : memref<128xi32, #tpu.memory_space<vmem>>, vector<16xi32>,
      tpu.vector_store %arg7[%swap3A_58], %add3A_57 {strides = array<i32>} : memref<128xi32, #tpu.memory_space<vmem>>, vector<16xi32>,
      %get3A_60 = arith.constant 80 : index
      %get3A_61 = tpu.vector_load %arg7[%get3A_60] {strides = array<i32>} : memref<128xi32, #tpu.memory_space<vmem>>, vector<16xi32>,
      %add3A_62 = vector.broadcast %mul3A_0 : i32 to vector<16xi32>
      %add3A_63 = arith.addi %get3A_61, %add3A_62 : vector<16xi32>
      %swap3A_64 = arith.constant 80 : index
      %swap3A_65 = tpu.vector_load %arg7[%swap3A_64] {strides = array<i32>} : memref<128xi32, #tpu.memory_space<vmem>>, vector<16xi32>,
      tpu.vector_store %arg7[%swap3A_64], %add3A_63 {strides = array<i32>} : memref<128xi32, #tpu.memory_space<vmem>>, vector<16xi32>,
      %get3A_66 = arith.constant 96 : index
      %get3A_67 = tpu.vector_load %arg7[%get3A_66] {strides = array<i32>} : memref<128xi32, #tpu.memory_space<vmem>>, vector<16xi32>,
      %add3A_68 = vector.broadcast %mul3A_0 : i32 to vector<16xi32>
      %add3A_69 = arith.addi %get3A_67, %add3A_68 : vector<16xi32>
      %swap3A_70 = arith.constant 96 : index
      %swap3A_71 = tpu.vector_load %arg7[%swap3A_70] {strides = array<i32>} : memref<128xi32, #tpu.memory_space<vmem>>, vector<16xi32>,
      tpu.vector_store %arg7[%swap3A_70], %add3A_69 {strides = array<i32>} : memref<128xi32, #tpu.memory_space<vmem>>, vector<16xi32>,
      %get3A_72 = arith.constant 112 : index
      %get3A_73 = tpu.vector_load %arg7[%get3A_72] {strides = array<i32>} : memref<128xi32, #tpu.memory_space<vmem>>, vector<16xi32>,
      %add3A_74 = vector.broadcast %mul3A_0 : i32 to vector<16xi32>
      %add3A_75 = arith.addi %get3A_73, %add3A_74 : vector<16xi32>
      %swap3A_76 = arith.constant 112 : index
      %swap3A_77 = tpu.vector_load %arg7[%swap3A_76] {strides = array<i32>} : memref<128xi32, #tpu.memory_space<vmem>>, vector<16xi32>,
      tpu.vector_store %arg7[%swap3A_76], %add3A_75 {strides = array<i32>} : memref<128xi32, #tpu.memory_space<vmem>>, vector<16xi32>,
      %dma_start3A = arith.constant 0 : i32
      %dma_start3A_78 = arith.constant 0 : i32
      %dma_start3A_79 = tpu.memref_slice %arg2[%dma_start3A, %dma_start3A_78] : memref<20480x128xf32, #tpu.memory_space<hbm>> -> memref<20480x128xf32, #tpu.memory_space<hbm>>
      tpu.enqueue_indirect_dma source(%dma_start3A_79 : memref<20480x128xf32, #tpu.memory_space<hbm>>) target(%arg9 : memref<128x128xf32, #tpu.memory_space<vmem>>) offsets(%arg7 : memref<128xi32, #tpu.memory_space<vmem>>) semaphore(%arg11 : memref<!tpu.dma_semaphore, #tpu.memory_space<semaphore_mem>>)
      %dma_wait3A = arith.constant 0 : i32
      %dma_wait3A_80 = arith.constant 0 : i32
      %dma_wait3A_81 = tpu.memref_slice %arg2[%dma_wait3A, %dma_wait3A_80] : memref<20480x128xf32, #tpu.memory_space<hbm>> -> memref<20480x128xf32, #tpu.memory_space<hbm>>
      tpu.wait_indirect_dma semaphore(%arg11 : memref<!tpu.dma_semaphore, #tpu.memory_space<semaphore_mem>>) src(%dma_wait3A_81 : memref<20480x128xf32, #tpu.memory_space<hbm>>) dst(%arg9 : memref<128x128xf32, #tpu.memory_space<vmem>>)
      "tpu.region"() ({
        %run_scoped3A = tpu.sem_alloc : memref<!tpu.dma_semaphore, #tpu.memory_space<semaphore_mem>>
        %dma_start3A_83 = arith.constant 0 : i32
        %dma_start3A_84 = arith.constant 0 : i32
        %dma_start3A_85 = tpu.memref_slice %arg10[%dma_start3A_83, %dma_start3A_84] : memref<10240x128xf32, #tpu.memory_space<vmem_shared>> -> memref<10240x128xf32, #tpu.memory_space<vmem_shared>>
        tpu.enqueue_indirect_dma source(%arg9 : memref<128x128xf32, #tpu.memory_space<vmem>>) target(%dma_start3A_85 : memref<10240x128xf32, #tpu.memory_space<vmem_shared>>) offsets(%arg8 : memref<128xi32, #tpu.memory_space<vmem>>) semaphore(%run_scoped3A : memref<!tpu.dma_semaphore, #tpu.memory_space<semaphore_mem>>) {add = true}
        %dma_wait3A_86 = arith.constant 0 : i32
        %dma_wait3A_87 = arith.constant 0 : i32
        %dma_wait3A_88 = tpu.memref_slice %arg10[%dma_wait3A_86, %dma_wait3A_87] : memref<10240x128xf32, #tpu.memory_space<vmem_shared>> -> memref<10240x128xf32, #tpu.memory_space<vmem_shared>>
        tpu.wait_indirect_dma semaphore(%run_scoped3A : memref<!tpu.dma_semaphore, #tpu.memory_space<semaphore_mem>>) src(%arg9 : memref<128x128xf32, #tpu.memory_space<vmem>>) dst(%dma_wait3A_88 : memref<10240x128xf32, #tpu.memory_space<vmem_shared>>)
        tpu.yield
      }) : () -> ()
      %while3A_82 = arith.constant 0 : i32
      scf.yield %while3A_82 : i32
    }
    %barrier3A_21 = arith.constant 0 : index
    tpu.barrier barrier_id(%barrier3A_21)
    %mul3A_22 = arith.constant 640 : i32
    %mul3A_23 = arith.muli %arg1, %mul3A_22 : i32
    %mul3A_24 = arith.constant 10240 : i32
    %mul3A_25 = arith.muli %arg0, %mul3A_24 : i32
    %mul3A_26 = arith.constant 640 : i32
    %mul3A_27 = arith.muli %arg1, %mul3A_26 : i32
    %add3A_28 = arith.addi %mul3A_25, %mul3A_27 : i32
    "tpu.region"() ({
      %run_scoped3A = tpu.sem_alloc : memref<!tpu.dma_semaphore, #tpu.memory_space<semaphore_mem>>
      %dma_start3A = arith.constant 0 : i32
      %dma_start3A_29 = tpu.memref_slice %arg6[%add3A_28, %dma_start3A] : memref<20480x128xf32, #tpu.memory_space<hbm>> -> memref<640x128xf32, #tpu.memory_space<hbm>>
      %dma_start3A_30 = arith.constant 0 : i32
      %dma_start3A_31 = tpu.memref_slice %arg10[%mul3A_23, %dma_start3A_30] : memref<10240x128xf32, #tpu.memory_space<vmem_shared>> -> memref<640x128xf32, #tpu.memory_space<vmem_shared>>
      tpu.enqueue_dma source(%dma_start3A_31 : memref<640x128xf32, #tpu.memory_space<vmem_shared>>) target(%dma_start3A_29 : memref<640x128xf32, #tpu.memory_space<hbm>>) target_semaphore(%run_scoped3A : memref<!tpu.dma_semaphore, #tpu.memory_space<semaphore_mem>>)
      %dma_wait3A = arith.constant 0 : i32
      %dma_wait3A_32 = tpu.memref_slice %arg6[%add3A_28, %dma_wait3A] : memref<20480x128xf32, #tpu.memory_space<hbm>> -> memref<640x128xf32, #tpu.memory_space<hbm>>
      %dma_wait3A_33 = arith.constant 0 : i32
      %dma_wait3A_34 = tpu.memref_slice %arg10[%mul3A_23, %dma_wait3A_33] : memref<10240x128xf32, #tpu.memory_space<vmem_shared>> -> memref<640x128xf32, #tpu.memory_space<vmem_shared>>
      tpu.wait_dma2 semaphore(%run_scoped3A : memref<!tpu.dma_semaphore, #tpu.memory_space<semaphore_mem>>) src(%dma_wait3A_34 : memref<640x128xf32, #tpu.memory_space<vmem_shared>>) dst(%dma_wait3A_32 : memref<640x128xf32, #tpu.memory_space<hbm>>)
      tpu.yield
    }) : () -> ()
    return
  }
}

#map = affine_map<(d0, d1) -> (0, 0)>
#map1 = affine_map<(d0, d1) -> (0, 0, 0, 0)>
module attributes {stable_mosaic.version = 14 : i64} {
  func.func @_deg_body(%arg0: i32, %arg1: i32, %arg2: memref<1280x128xi32, #tpu.memory_space<hbm>>, %arg3: memref<1280x128xi32, #tpu.memory_space<hbm>>, %arg4: memref<2x16x2x10240xf32, #tpu.memory_space<hbm>>, %arg5: memref<40x128xi32, #tpu.memory_space<vmem>>, %arg6: memref<40x128xi32, #tpu.memory_space<vmem>>, %arg7: memref<10240xf32, #tpu.memory_space<vmem>>, %arg8: memref<10240xf32, #tpu.memory_space<vmem>>) attributes {dimension_semantics = [#tpu.dimension_semantics<core_parallel>, #tpu.dimension_semantics<subcore_parallel>], iteration_bounds = array<i64: 2, 16>, scalar_prefetch = 0 : i64, scratch_operands = 4 : i64, tpu.core_type = #tpu.core_type<sc_vector_subcore>, window_params = [{transform_indices = #map}, {transform_indices = #map}, {transform_indices = #map1}]} {
    %mul3A = arith.constant 2 : i32
    %mul3A_0 = arith.muli %arg1, %mul3A : i32
    %add3A = arith.addi %mul3A_0, %arg0 : i32
    %broadcast_in_dim3A = arith.constant 0.000000e+00 : f32
    %broadcast_in_dim3A_1 = vector.broadcast %broadcast_in_dim3A : f32 to vector<16xf32>
    %broadcast_in_dim3A_2 = arith.constant 1.000000e+00 : f32
    %broadcast_in_dim3A_3 = vector.broadcast %broadcast_in_dim3A_2 : f32 to vector<16xf32>
    %mul3A_4 = arith.constant 40 : i32
    %mul3A_5 = arith.muli %add3A, %mul3A_4 : i32
    "tpu.region"() ({
      %run_scoped3A_22 = tpu.sem_alloc : memref<!tpu.dma_semaphore, #tpu.memory_space<semaphore_mem>>
      %dma_start3A = arith.constant 0 : i32
      %dma_start3A_23 = tpu.memref_slice %arg2[%mul3A_5, %dma_start3A] : memref<1280x128xi32, #tpu.memory_space<hbm>> -> memref<40x128xi32, #tpu.memory_space<hbm>>
      %dma_start3A_24 = arith.constant 0 : i32
      %dma_start3A_25 = tpu.memref_slice %arg2[%mul3A_5, %dma_start3A_24] : memref<1280x128xi32, #tpu.memory_space<hbm>> -> memref<40x128xi32, #tpu.memory_space<hbm>>
      tpu.enqueue_dma source(%dma_start3A_25 : memref<40x128xi32, #tpu.memory_space<hbm>>) target(%arg5 : memref<40x128xi32, #tpu.memory_space<vmem>>) target_semaphore(%run_scoped3A_22 : memref<!tpu.dma_semaphore, #tpu.memory_space<semaphore_mem>>)
      %dma_wait3A = arith.constant 0 : i32
      %dma_wait3A_26 = tpu.memref_slice %arg2[%mul3A_5, %dma_wait3A] : memref<1280x128xi32, #tpu.memory_space<hbm>> -> memref<40x128xi32, #tpu.memory_space<hbm>>
      %dma_wait3A_27 = arith.constant 0 : i32
      %dma_wait3A_28 = tpu.memref_slice %arg2[%mul3A_5, %dma_wait3A_27] : memref<1280x128xi32, #tpu.memory_space<hbm>> -> memref<40x128xi32, #tpu.memory_space<hbm>>
      tpu.wait_dma2 semaphore(%run_scoped3A_22 : memref<!tpu.dma_semaphore, #tpu.memory_space<semaphore_mem>>) src(%dma_wait3A_28 : memref<40x128xi32, #tpu.memory_space<hbm>>) dst(%arg5 : memref<40x128xi32, #tpu.memory_space<vmem>>)
      tpu.yield
    }) : () -> ()
    %mul3A_6 = arith.constant 40 : i32
    %mul3A_7 = arith.muli %add3A, %mul3A_6 : i32
    "tpu.region"() ({
      %run_scoped3A_22 = tpu.sem_alloc : memref<!tpu.dma_semaphore, #tpu.memory_space<semaphore_mem>>
      %dma_start3A = arith.constant 0 : i32
      %dma_start3A_23 = tpu.memref_slice %arg3[%mul3A_7, %dma_start3A] : memref<1280x128xi32, #tpu.memory_space<hbm>> -> memref<40x128xi32, #tpu.memory_space<hbm>>
      %dma_start3A_24 = arith.constant 0 : i32
      %dma_start3A_25 = tpu.memref_slice %arg3[%mul3A_7, %dma_start3A_24] : memref<1280x128xi32, #tpu.memory_space<hbm>> -> memref<40x128xi32, #tpu.memory_space<hbm>>
      tpu.enqueue_dma source(%dma_start3A_25 : memref<40x128xi32, #tpu.memory_space<hbm>>) target(%arg6 : memref<40x128xi32, #tpu.memory_space<vmem>>) target_semaphore(%run_scoped3A_22 : memref<!tpu.dma_semaphore, #tpu.memory_space<semaphore_mem>>)
      %dma_wait3A = arith.constant 0 : i32
      %dma_wait3A_26 = tpu.memref_slice %arg3[%mul3A_7, %dma_wait3A] : memref<1280x128xi32, #tpu.memory_space<hbm>> -> memref<40x128xi32, #tpu.memory_space<hbm>>
      %dma_wait3A_27 = arith.constant 0 : i32
      %dma_wait3A_28 = tpu.memref_slice %arg3[%mul3A_7, %dma_wait3A_27] : memref<1280x128xi32, #tpu.memory_space<hbm>> -> memref<40x128xi32, #tpu.memory_space<hbm>>
      tpu.wait_dma2 semaphore(%run_scoped3A_22 : memref<!tpu.dma_semaphore, #tpu.memory_space<semaphore_mem>>) src(%dma_wait3A_28 : memref<40x128xi32, #tpu.memory_space<hbm>>) dst(%arg6 : memref<40x128xi32, #tpu.memory_space<vmem>>)
      tpu.yield
    }) : () -> ()
    %scan3A = arith.constant 0 : i32
    %scan3A_8 = arith.constant 0 : i32
    %scan3A_9 = arith.constant 640 : i32
    %scan3A_10 = arith.addi %scan3A_8, %scan3A_9 : i32
    %scan3A_11 = arith.constant 1 : i32
    %scan3A_12 = scf.for %scan3A_22 = %scan3A_8 to %scan3A_10 step %scan3A_11 iter_args(%scan3A_23 = %scan3A) -> (i32)  : i32 {
      %mul3A_24 = arith.constant 16 : i32
      %mul3A_25 = arith.muli %scan3A_22, %mul3A_24 : i32
      %swap3A = arith.index_cast %mul3A_25 : i32 to index
      %swap3A_26 = tpu.vector_load %arg7[%swap3A] {strides = array<i32>} : memref<10240xf32, #tpu.memory_space<vmem>>, vector<16xf32>,
      tpu.vector_store %arg7[%swap3A], %broadcast_in_dim3A_1 {strides = array<i32>} : memref<10240xf32, #tpu.memory_space<vmem>>, vector<16xf32>,
      %mul3A_27 = arith.constant 16 : i32
      %mul3A_28 = arith.muli %scan3A_22, %mul3A_27 : i32
      %swap3A_29 = arith.index_cast %mul3A_28 : i32 to index
      %swap3A_30 = tpu.vector_load %arg8[%swap3A_29] {strides = array<i32>} : memref<10240xf32, #tpu.memory_space<vmem>>, vector<16xf32>,
      tpu.vector_store %arg8[%swap3A_29], %broadcast_in_dim3A_1 {strides = array<i32>} : memref<10240xf32, #tpu.memory_space<vmem>>, vector<16xf32>,
      %scan3A_31 = arith.constant 0 : i32
      scf.yield %scan3A_31 : i32
    }
    %scan3A_13 = arith.constant 640 : i32
    %scan3A_14 = arith.constant 0 : i32
    %scan3A_15 = arith.constant 0 : i32
    %scan3A_16 = arith.constant 40 : i32
    %scan3A_17 = arith.addi %scan3A_15, %scan3A_16 : i32
    %scan3A_18 = arith.constant 1 : i32
    %scan3A_19 = scf.for %scan3A_22 = %scan3A_15 to %scan3A_17 step %scan3A_18 iter_args(%scan3A_23 = %scan3A_14) -> (i32)  : i32 {
      %get3A = arith.index_cast %scan3A_22 : i32 to index
      %get3A_24 = arith.constant 0 : index
      %get3A_25 = tpu.vector_load %arg5[%get3A, %get3A_24] {strides = array<i32>} : memref<40x128xi32, #tpu.memory_space<vmem>>, vector<16xi32>,
      tpu.vector_store_idx %arg7[%get3A_25], %broadcast_in_dim3A_3 {add = true} : memref<10240xf32, #tpu.memory_space<vmem>>[vector<16xi32>], vector<16xf32>,
      %get3A_26 = arith.index_cast %scan3A_22 : i32 to index
      %get3A_27 = arith.constant 0 : index
      %get3A_28 = tpu.vector_load %arg6[%get3A_26, %get3A_27] {strides = array<i32>} : memref<40x128xi32, #tpu.memory_space<vmem>>, vector<16xi32>,
      tpu.vector_store_idx %arg8[%get3A_28], %broadcast_in_dim3A_3 {add = true} : memref<10240xf32, #tpu.memory_space<vmem>>[vector<16xi32>], vector<16xf32>,
      %get3A_29 = arith.index_cast %scan3A_22 : i32 to index
      %get3A_30 = arith.constant 16 : index
      %get3A_31 = tpu.vector_load %arg5[%get3A_29, %get3A_30] {strides = array<i32>} : memref<40x128xi32, #tpu.memory_space<vmem>>, vector<16xi32>,
      tpu.vector_store_idx %arg7[%get3A_31], %broadcast_in_dim3A_3 {add = true} : memref<10240xf32, #tpu.memory_space<vmem>>[vector<16xi32>], vector<16xf32>,
      %get3A_32 = arith.index_cast %scan3A_22 : i32 to index
      %get3A_33 = arith.constant 16 : index
      %get3A_34 = tpu.vector_load %arg6[%get3A_32, %get3A_33] {strides = array<i32>} : memref<40x128xi32, #tpu.memory_space<vmem>>, vector<16xi32>,
      tpu.vector_store_idx %arg8[%get3A_34], %broadcast_in_dim3A_3 {add = true} : memref<10240xf32, #tpu.memory_space<vmem>>[vector<16xi32>], vector<16xf32>,
      %get3A_35 = arith.index_cast %scan3A_22 : i32 to index
      %get3A_36 = arith.constant 32 : index
      %get3A_37 = tpu.vector_load %arg5[%get3A_35, %get3A_36] {strides = array<i32>} : memref<40x128xi32, #tpu.memory_space<vmem>>, vector<16xi32>,
      tpu.vector_store_idx %arg7[%get3A_37], %broadcast_in_dim3A_3 {add = true} : memref<10240xf32, #tpu.memory_space<vmem>>[vector<16xi32>], vector<16xf32>,
      %get3A_38 = arith.index_cast %scan3A_22 : i32 to index
      %get3A_39 = arith.constant 32 : index
      %get3A_40 = tpu.vector_load %arg6[%get3A_38, %get3A_39] {strides = array<i32>} : memref<40x128xi32, #tpu.memory_space<vmem>>, vector<16xi32>,
      tpu.vector_store_idx %arg8[%get3A_40], %broadcast_in_dim3A_3 {add = true} : memref<10240xf32, #tpu.memory_space<vmem>>[vector<16xi32>], vector<16xf32>,
      %get3A_41 = arith.index_cast %scan3A_22 : i32 to index
      %get3A_42 = arith.constant 48 : index
      %get3A_43 = tpu.vector_load %arg5[%get3A_41, %get3A_42] {strides = array<i32>} : memref<40x128xi32, #tpu.memory_space<vmem>>, vector<16xi32>,
      tpu.vector_store_idx %arg7[%get3A_43], %broadcast_in_dim3A_3 {add = true} : memref<10240xf32, #tpu.memory_space<vmem>>[vector<16xi32>], vector<16xf32>,
      %get3A_44 = arith.index_cast %scan3A_22 : i32 to index
      %get3A_45 = arith.constant 48 : index
      %get3A_46 = tpu.vector_load %arg6[%get3A_44, %get3A_45] {strides = array<i32>} : memref<40x128xi32, #tpu.memory_space<vmem>>, vector<16xi32>,
      tpu.vector_store_idx %arg8[%get3A_46], %broadcast_in_dim3A_3 {add = true} : memref<10240xf32, #tpu.memory_space<vmem>>[vector<16xi32>], vector<16xf32>,
      %get3A_47 = arith.index_cast %scan3A_22 : i32 to index
      %get3A_48 = arith.constant 64 : index
      %get3A_49 = tpu.vector_load %arg5[%get3A_47, %get3A_48] {strides = array<i32>} : memref<40x128xi32, #tpu.memory_space<vmem>>, vector<16xi32>,
      tpu.vector_store_idx %arg7[%get3A_49], %broadcast_in_dim3A_3 {add = true} : memref<10240xf32, #tpu.memory_space<vmem>>[vector<16xi32>], vector<16xf32>,
      %get3A_50 = arith.index_cast %scan3A_22 : i32 to index
      %get3A_51 = arith.constant 64 : index
      %get3A_52 = tpu.vector_load %arg6[%get3A_50, %get3A_51] {strides = array<i32>} : memref<40x128xi32, #tpu.memory_space<vmem>>, vector<16xi32>,
      tpu.vector_store_idx %arg8[%get3A_52], %broadcast_in_dim3A_3 {add = true} : memref<10240xf32, #tpu.memory_space<vmem>>[vector<16xi32>], vector<16xf32>,
      %get3A_53 = arith.index_cast %scan3A_22 : i32 to index
      %get3A_54 = arith.constant 80 : index
      %get3A_55 = tpu.vector_load %arg5[%get3A_53, %get3A_54] {strides = array<i32>} : memref<40x128xi32, #tpu.memory_space<vmem>>, vector<16xi32>,
      tpu.vector_store_idx %arg7[%get3A_55], %broadcast_in_dim3A_3 {add = true} : memref<10240xf32, #tpu.memory_space<vmem>>[vector<16xi32>], vector<16xf32>,
      %get3A_56 = arith.index_cast %scan3A_22 : i32 to index
      %get3A_57 = arith.constant 80 : index
      %get3A_58 = tpu.vector_load %arg6[%get3A_56, %get3A_57] {strides = array<i32>} : memref<40x128xi32, #tpu.memory_space<vmem>>, vector<16xi32>,
      tpu.vector_store_idx %arg8[%get3A_58], %broadcast_in_dim3A_3 {add = true} : memref<10240xf32, #tpu.memory_space<vmem>>[vector<16xi32>], vector<16xf32>,
      %get3A_59 = arith.index_cast %scan3A_22 : i32 to index
      %get3A_60 = arith.constant 96 : index
      %get3A_61 = tpu.vector_load %arg5[%get3A_59, %get3A_60] {strides = array<i32>} : memref<40x128xi32, #tpu.memory_space<vmem>>, vector<16xi32>,
      tpu.vector_store_idx %arg7[%get3A_61], %broadcast_in_dim3A_3 {add = true} : memref<10240xf32, #tpu.memory_space<vmem>>[vector<16xi32>], vector<16xf32>,
      %get3A_62 = arith.index_cast %scan3A_22 : i32 to index
      %get3A_63 = arith.constant 96 : index
      %get3A_64 = tpu.vector_load %arg6[%get3A_62, %get3A_63] {strides = array<i32>} : memref<40x128xi32, #tpu.memory_space<vmem>>, vector<16xi32>,
      tpu.vector_store_idx %arg8[%get3A_64], %broadcast_in_dim3A_3 {add = true} : memref<10240xf32, #tpu.memory_space<vmem>>[vector<16xi32>], vector<16xf32>,
      %get3A_65 = arith.index_cast %scan3A_22 : i32 to index
      %get3A_66 = arith.constant 112 : index
      %get3A_67 = tpu.vector_load %arg5[%get3A_65, %get3A_66] {strides = array<i32>} : memref<40x128xi32, #tpu.memory_space<vmem>>, vector<16xi32>,
      tpu.vector_store_idx %arg7[%get3A_67], %broadcast_in_dim3A_3 {add = true} : memref<10240xf32, #tpu.memory_space<vmem>>[vector<16xi32>], vector<16xf32>,
      %get3A_68 = arith.index_cast %scan3A_22 : i32 to index
      %get3A_69 = arith.constant 112 : index
      %get3A_70 = tpu.vector_load %arg6[%get3A_68, %get3A_69] {strides = array<i32>} : memref<40x128xi32, #tpu.memory_space<vmem>>, vector<16xi32>,
      tpu.vector_store_idx %arg8[%get3A_70], %broadcast_in_dim3A_3 {add = true} : memref<10240xf32, #tpu.memory_space<vmem>>[vector<16xi32>], vector<16xf32>,
      %scan3A_71 = arith.constant 0 : i32
      scf.yield %scan3A_71 : i32
    }
    %scan3A_20 = arith.constant 40 : i32
    %run_scoped3A = arith.constant 0 : i32
    "tpu.region"() ({
      %run_scoped3A_22 = tpu.sem_alloc : memref<!tpu.dma_semaphore, #tpu.memory_space<semaphore_mem>>
      %dma_start3A = arith.constant 0 : i32
      %dma_start3A_23 = tpu.memref_slice %arg4[%arg0, %arg1, %run_scoped3A, %dma_start3A] : memref<2x16x2x10240xf32, #tpu.memory_space<hbm>> -> memref<1x1x1x10240xf32, #tpu.memory_space<hbm>>
      %dma_start3A_24 = tpu.memref_squeeze %dma_start3A_23 : memref<1x1x1x10240xf32, #tpu.memory_space<hbm>> -> memref<10240xf32, #tpu.memory_space<hbm>>
      %dma_start3A_25 = arith.constant 0 : i32
      %dma_start3A_26 = tpu.memref_slice %arg4[%arg0, %arg1, %run_scoped3A, %dma_start3A_25] : memref<2x16x2x10240xf32, #tpu.memory_space<hbm>> -> memref<1x1x1x10240xf32, #tpu.memory_space<hbm>>
      %dma_start3A_27 = tpu.memref_squeeze %dma_start3A_26 : memref<1x1x1x10240xf32, #tpu.memory_space<hbm>> -> memref<10240xf32, #tpu.memory_space<hbm>>
      tpu.enqueue_dma source(%arg7 : memref<10240xf32, #tpu.memory_space<vmem>>) target(%dma_start3A_27 : memref<10240xf32, #tpu.memory_space<hbm>>) target_semaphore(%run_scoped3A_22 : memref<!tpu.dma_semaphore, #tpu.memory_space<semaphore_mem>>)
      %dma_wait3A = arith.constant 0 : i32
      %dma_wait3A_28 = tpu.memref_slice %arg4[%arg0, %arg1, %run_scoped3A, %dma_wait3A] : memref<2x16x2x10240xf32, #tpu.memory_space<hbm>> -> memref<1x1x1x10240xf32, #tpu.memory_space<hbm>>
      %dma_wait3A_29 = tpu.memref_squeeze %dma_wait3A_28 : memref<1x1x1x10240xf32, #tpu.memory_space<hbm>> -> memref<10240xf32, #tpu.memory_space<hbm>>
      %dma_wait3A_30 = arith.constant 0 : i32
      %dma_wait3A_31 = tpu.memref_slice %arg4[%arg0, %arg1, %run_scoped3A, %dma_wait3A_30] : memref<2x16x2x10240xf32, #tpu.memory_space<hbm>> -> memref<1x1x1x10240xf32, #tpu.memory_space<hbm>>
      %dma_wait3A_32 = tpu.memref_squeeze %dma_wait3A_31 : memref<1x1x1x10240xf32, #tpu.memory_space<hbm>> -> memref<10240xf32, #tpu.memory_space<hbm>>
      tpu.wait_dma2 semaphore(%run_scoped3A_22 : memref<!tpu.dma_semaphore, #tpu.memory_space<semaphore_mem>>) src(%arg7 : memref<10240xf32, #tpu.memory_space<vmem>>) dst(%dma_wait3A_32 : memref<10240xf32, #tpu.memory_space<hbm>>)
      tpu.yield
    }) : () -> ()
    %run_scoped3A_21 = arith.constant 1 : i32
    "tpu.region"() ({
      %run_scoped3A_22 = tpu.sem_alloc : memref<!tpu.dma_semaphore, #tpu.memory_space<semaphore_mem>>
      %dma_start3A = arith.constant 0 : i32
      %dma_start3A_23 = tpu.memref_slice %arg4[%arg0, %arg1, %run_scoped3A_21, %dma_start3A] : memref<2x16x2x10240xf32, #tpu.memory_space<hbm>> -> memref<1x1x1x10240xf32, #tpu.memory_space<hbm>>
      %dma_start3A_24 = tpu.memref_squeeze %dma_start3A_23 : memref<1x1x1x10240xf32, #tpu.memory_space<hbm>> -> memref<10240xf32, #tpu.memory_space<hbm>>
      %dma_start3A_25 = arith.constant 0 : i32
      %dma_start3A_26 = tpu.memref_slice %arg4[%arg0, %arg1, %run_scoped3A_21, %dma_start3A_25] : memref<2x16x2x10240xf32, #tpu.memory_space<hbm>> -> memref<1x1x1x10240xf32, #tpu.memory_space<hbm>>
      %dma_start3A_27 = tpu.memref_squeeze %dma_start3A_26 : memref<1x1x1x10240xf32, #tpu.memory_space<hbm>> -> memref<10240xf32, #tpu.memory_space<hbm>>
      tpu.enqueue_dma source(%arg8 : memref<10240xf32, #tpu.memory_space<vmem>>) target(%dma_start3A_27 : memref<10240xf32, #tpu.memory_space<hbm>>) target_semaphore(%run_scoped3A_22 : memref<!tpu.dma_semaphore, #tpu.memory_space<semaphore_mem>>)
      %dma_wait3A = arith.constant 0 : i32
      %dma_wait3A_28 = tpu.memref_slice %arg4[%arg0, %arg1, %run_scoped3A_21, %dma_wait3A] : memref<2x16x2x10240xf32, #tpu.memory_space<hbm>> -> memref<1x1x1x10240xf32, #tpu.memory_space<hbm>>
      %dma_wait3A_29 = tpu.memref_squeeze %dma_wait3A_28 : memref<1x1x1x10240xf32, #tpu.memory_space<hbm>> -> memref<10240xf32, #tpu.memory_space<hbm>>
      %dma_wait3A_30 = arith.constant 0 : i32
      %dma_wait3A_31 = tpu.memref_slice %arg4[%arg0, %arg1, %run_scoped3A_21, %dma_wait3A_30] : memref<2x16x2x10240xf32, #tpu.memory_space<hbm>> -> memref<1x1x1x10240xf32, #tpu.memory_space<hbm>>
      %dma_wait3A_32 = tpu.memref_squeeze %dma_wait3A_31 : memref<1x1x1x10240xf32, #tpu.memory_space<hbm>> -> memref<10240xf32, #tpu.memory_space<hbm>>
      tpu.wait_dma2 semaphore(%run_scoped3A_22 : memref<!tpu.dma_semaphore, #tpu.memory_space<semaphore_mem>>) src(%arg8 : memref<10240xf32, #tpu.memory_space<vmem>>) dst(%dma_wait3A_32 : memref<10240xf32, #tpu.memory_space<hbm>>)
      tpu.yield
    }) : () -> ()
    return
  }
}

module attributes {stable_mosaic.version = 14 : i64} {
  func.func @_mm1_body(%arg0: i32, %arg1: i32, %arg2: memref<32x2x10240xf32, #tpu.memory_space<vmem>>, %arg3: memref<1024x256xf32, #tpu.memory_space<vmem>>, %arg4: memref<256x256xf32, #tpu.memory_space<vmem>>, %arg5: memref<1024x128xf32, #tpu.memory_space<vmem>>, %arg6: memref<1024x1xf32, #tpu.memory_space<vmem>>, %arg7: memref<1024x1xf32, #tpu.memory_space<vmem>>, %arg8: memref<10240x1xf32, #tpu.memory_space<vmem>>, %arg9: memref<10240x1xf32, #tpu.memory_space<vmem>>) attributes {dimension_semantics = [#tpu.dimension_semantics<arbitrary>, #tpu.dimension_semantics<arbitrary>], iteration_bounds = array<i64: 10, 2>, scalar_prefetch = 0 : i64, scratch_operands = 2 : i64, tpu.core_type = #tpu.core_type<tc>, window_params = [{pipeline_mode = #tpu.pipeline_mode<synchronous>, transform_indices = @transform_0, window_bounds = array<i64: 32, 2, 10240>}, {transform_indices = @transform_1, window_bounds = array<i64: 1024, 256>}, {pipeline_mode = #tpu.pipeline_mode<synchronous>, transform_indices = @transform_2, window_bounds = array<i64: 256, 256>}, {transform_indices = @transform_3, window_bounds = array<i64: 1024, 128>}, {transform_indices = @transform_4, window_bounds = array<i64: 1024, 1>}, {transform_indices = @transform_5, window_bounds = array<i64: 1024, 1>}]} {
    %eq3A = arith.constant 0 : i32
    %eq3A_0 = arith.cmpi eq, %arg0, %eq3A : i32
    %eq3A_1 = arith.constant 0 : i32
    %eq3A_2 = arith.cmpi eq, %arg1, %eq3A_1 : i32
    %and3A = arith.andi %eq3A_0, %eq3A_2 : i1
    %convert_element_type3A = arith.extui %and3A : i1 to i32
    %cond3A = arith.constant 0 : i32
    %cond3A_3 = arith.cmpi ne, %convert_element_type3A, %cond3A : i32
    scf.if %cond3A_3 {
      %iota3A = tpu.iota {dimensions = array<i32: 0>} : vector<256x256xi32>
      %iota3A_32 = tpu.iota {dimensions = array<i32: 1>} : vector<256x256xi32>
      %eq3A_33 = arith.cmpi eq, %iota3A, %iota3A_32 : vector<256x256xi32>
      %jit3A = arith.constant 1.000000e+00 : f32
      %jit3A_34 = arith.constant 0.000000e+00 : f32
      %broadcast_in_dim3A = vector.broadcast %jit3A : f32 to vector<256x256xf32>
      %broadcast_in_dim3A_35 = vector.broadcast %jit3A_34 : f32 to vector<256x256xf32>
      %select_n3A_36 = arith.select %eq3A_33, %broadcast_in_dim3A, %broadcast_in_dim3A_35 : vector<256x256xi1>, vector<256x256xf32>
      %scan3A = arith.constant 0 : i32
      %scan3A_37 = arith.constant 40 : i32
      %scan3A_38 = arith.addi %scan3A, %scan3A_37 : i32
      %scan3A_39 = arith.constant 1 : i32
      scf.for %scan3A_41 = %scan3A to %scan3A_38 step %scan3A_39  : i32 {
        %mul3A_42 = arith.constant 256 : i32
        %mul3A_43 = arith.muli %scan3A_41, %mul3A_42 : i32
        %get3A_44 = arith.constant 0 : index
        %get3A_45 = arith.constant 0 : index
        %get3A_46 = arith.index_cast %mul3A_43 : i32 to index
        %get3A_47 = vector.load %arg2[%get3A_44, %get3A_45, %get3A_46] : memref<32x2x10240xf32, #tpu.memory_space<vmem>>, vector<32x2x256xf32>
        %reduce_sum3A = arith.constant dense<0.000000e+00> : vector<2x256xf32>
        %reduce_sum3A_48 = vector.multi_reduction <add>, %get3A_47, %reduce_sum3A [0] : vector<32x2x256xf32> to vector<2x256xf32>
        %dot_general3A_49 = arith.constant dense<0.000000e+00> : vector<256x2xf32>
        %dot_general3A_50 = tpu.matmul %select_n3A_36, %reduce_sum3A_48, %dot_general3A_49 {dimension_numbers = #tpu.dot_dimension_numbers<[1], [1], [0], [0], [0, 0, 1, 0], [], []>, precision = #tpu.contract_precision<fp32>, transpose_lhs_hint = false} : vector<256x256xf32>, vector<2x256xf32>, vector<256x2xf32> -> vector<256x2xf32>
        %slice3A_51 = vector.extract_strided_slice %dot_general3A_50 {offsets = [0, 0], sizes = [256, 1], strides = [1, 1]} : vector<256x2xf32> to vector<256x1xf32>
        %slice3A_52 = vector.extract_strided_slice %dot_general3A_50 {offsets = [0, 1], sizes = [256, 1], strides = [1, 1]} : vector<256x2xf32> to vector<256x1xf32>
        %gt3A = arith.constant 0.000000e+00 : f32
        %gt3A_53 = vector.broadcast %gt3A : f32 to vector<256x1xf32>
        %gt3A_54 = arith.cmpf ogt, %slice3A_51, %gt3A_53 : vector<256x1xf32>
        %max3A = arith.constant 9.99999996E-13 : f32
        %max3A_55 = vector.broadcast %max3A : f32 to vector<256x1xf32>
        %max3A_56 = arith.maximumf %slice3A_51, %max3A_55 : vector<256x1xf32>
        %rsqrt3A = math.rsqrt %max3A_56 : vector<256x1xf32>
        %jit3A_57 = arith.constant 0.000000e+00 : f32
        %broadcast_in_dim3A_58 = vector.broadcast %jit3A_57 : f32 to vector<256x1xf32>
        %select_n3A_59 = arith.select %gt3A_54, %rsqrt3A, %broadcast_in_dim3A_58 : vector<256x1xi1>, vector<256x1xf32>
        %swap3A_60 = arith.index_cast %mul3A_43 : i32 to index
        %swap3A_61 = arith.constant 0 : index
        %swap3A_62 = vector.load %arg8[%swap3A_60, %swap3A_61] : memref<10240x1xf32, #tpu.memory_space<vmem>>, vector<256x1xf32>
        tpu.vector_store %arg8[%swap3A_60, %swap3A_61], %select_n3A_59 {strides = array<i32>} : memref<10240x1xf32, #tpu.memory_space<vmem>>, vector<256x1xf32>,
        %gt3A_63 = arith.constant 0.000000e+00 : f32
        %gt3A_64 = vector.broadcast %gt3A_63 : f32 to vector<256x1xf32>
        %gt3A_65 = arith.cmpf ogt, %slice3A_52, %gt3A_64 : vector<256x1xf32>
        %max3A_66 = arith.constant 9.99999996E-13 : f32
        %max3A_67 = vector.broadcast %max3A_66 : f32 to vector<256x1xf32>
        %max3A_68 = arith.maximumf %slice3A_52, %max3A_67 : vector<256x1xf32>
        %rsqrt3A_69 = math.rsqrt %max3A_68 : vector<256x1xf32>
        %jit3A_70 = arith.constant 0.000000e+00 : f32
        %broadcast_in_dim3A_71 = vector.broadcast %jit3A_70 : f32 to vector<256x1xf32>
        %select_n3A_72 = arith.select %gt3A_65, %rsqrt3A_69, %broadcast_in_dim3A_71 : vector<256x1xi1>, vector<256x1xf32>
        %swap3A_73 = arith.index_cast %mul3A_43 : i32 to index
        %swap3A_74 = arith.constant 0 : index
        %swap3A_75 = vector.load %arg9[%swap3A_73, %swap3A_74] : memref<10240x1xf32, #tpu.memory_space<vmem>>, vector<256x1xf32>
        tpu.vector_store %arg9[%swap3A_73, %swap3A_74], %select_n3A_72 {strides = array<i32>} : memref<10240x1xf32, #tpu.memory_space<vmem>>, vector<256x1xf32>,
      }
      %scan3A_40 = arith.constant 40 : i32
    } else {
    }
    %mul3A = arith.constant 1024 : i32
    %mul3A_4 = arith.muli %arg0, %mul3A : i32
    %get3A = arith.index_cast %mul3A_4 : i32 to index
    %get3A_5 = arith.constant 0 : index
    %get3A_6 = vector.load %arg8[%get3A, %get3A_5] : memref<10240x1xf32, #tpu.memory_space<vmem>>, vector<1024x1xf32>
    %get3A_7 = arith.constant 0 : index
    %get3A_8 = arith.constant 0 : index
    %get3A_9 = vector.load %arg3[%get3A_7, %get3A_8] : memref<1024x256xf32, #tpu.memory_space<vmem>>, vector<1024x256xf32>
    %get3A_10 = arith.constant 0 : index
    %get3A_11 = arith.constant 0 : index
    %get3A_12 = vector.load %arg4[%get3A_10, %get3A_11] : memref<256x256xf32, #tpu.memory_space<vmem>>, vector<256x256xf32>
    %dot_general3A = arith.constant dense<0.000000e+00> : vector<1024x256xf32>
    %dot_general3A_13 = tpu.matmul %get3A_9, %get3A_12, %dot_general3A {dimension_numbers = #tpu.dot_dimension_numbers<[1], [0], [0], [1], [0, 0, 1, 1], [], []>, precision = #tpu.contract_precision<fp32>, transpose_lhs_hint = false} : vector<1024x256xf32>, vector<256x256xf32>, vector<1024x256xf32> -> vector<1024x256xf32>
    %mul3A_14 = vector.broadcast %get3A_6 : vector<1024x1xf32> to vector<1024x256xf32>
    %mul3A_15 = arith.mulf %dot_general3A_13, %mul3A_14 : vector<1024x256xf32>
    %eq3A_16 = arith.constant 0 : i32
    %eq3A_17 = arith.cmpi eq, %arg1, %eq3A_16 : i32
    %slice3A = vector.extract_strided_slice %mul3A_15 {offsets = [0, 0], sizes = [1024, 128], strides = [1, 1]} : vector<1024x256xf32> to vector<1024x128xf32>
    %slice3A_18 = vector.extract_strided_slice %mul3A_15 {offsets = [0, 128], sizes = [1024, 128], strides = [1, 1]} : vector<1024x256xf32> to vector<1024x128xf32>
    %select_n3A = arith.select %eq3A_17, %slice3A, %slice3A_18 : vector<1024x128xf32>
    %swap3A = arith.constant 0 : index
    %swap3A_19 = arith.constant 0 : index
    %swap3A_20 = vector.load %arg5[%swap3A, %swap3A_19] : memref<1024x128xf32, #tpu.memory_space<vmem>>, vector<1024x128xf32>
    tpu.vector_store %arg5[%swap3A, %swap3A_19], %select_n3A {strides = array<i32>} : memref<1024x128xf32, #tpu.memory_space<vmem>>, vector<1024x128xf32>,
    %swap3A_21 = arith.constant 0 : index
    %swap3A_22 = arith.constant 0 : index
    %swap3A_23 = vector.load %arg6[%swap3A_21, %swap3A_22] : memref<1024x1xf32, #tpu.memory_space<vmem>>, vector<1024x1xf32>
    tpu.vector_store %arg6[%swap3A_21, %swap3A_22], %get3A_6 {strides = array<i32>} : memref<1024x1xf32, #tpu.memory_space<vmem>>, vector<1024x1xf32>,
    %mul3A_24 = arith.constant 1024 : i32
    %mul3A_25 = arith.muli %arg0, %mul3A_24 : i32
    %get3A_26 = arith.index_cast %mul3A_25 : i32 to index
    %get3A_27 = arith.constant 0 : index
    %get3A_28 = vector.load %arg9[%get3A_26, %get3A_27] : memref<10240x1xf32, #tpu.memory_space<vmem>>, vector<1024x1xf32>
    %swap3A_29 = arith.constant 0 : index
    %swap3A_30 = arith.constant 0 : index
    %swap3A_31 = vector.load %arg7[%swap3A_29, %swap3A_30] : memref<1024x1xf32, #tpu.memory_space<vmem>>, vector<1024x1xf32>
    tpu.vector_store %arg7[%swap3A_29, %swap3A_30], %get3A_28 {strides = array<i32>} : memref<1024x1xf32, #tpu.memory_space<vmem>>, vector<1024x1xf32>,
    return
  }
  func.func @transform_0(%arg0: i32, %arg1: i32) -> (i32, i32, i32) {
    %c0_i32 = arith.constant 0 : i32
    %c0_i32_0 = arith.constant 0 : i32
    %c0_i32_1 = arith.constant 0 : i32
    %c0_i32_2 = arith.constant 0 : i32
    return %c0_i32, %c0_i32_0, %c0_i32_1 : i32, i32, i32
  }
  func.func @transform_1(%arg0: i32, %arg1: i32) -> (i32, i32) {
    %c0_i32 = arith.constant 0 : i32
    %c0_i32_0 = arith.constant 0 : i32
    return %arg0, %c0_i32 : i32, i32
  }
  func.func @transform_2(%arg0: i32, %arg1: i32) -> (i32, i32) {
    %c0_i32 = arith.constant 0 : i32
    %c0_i32_0 = arith.constant 0 : i32
    %c0_i32_1 = arith.constant 0 : i32
    return %c0_i32, %c0_i32_0 : i32, i32
  }
  func.func @transform_3(%arg0: i32, %arg1: i32) -> (i32, i32) {
    %mul3A = arith.constant 10 : i32
    %mul3A_0 = arith.muli %arg1, %mul3A : i32
    %add3A = arith.addi %mul3A_0, %arg0 : i32
    %c0_i32 = arith.constant 0 : i32
    %c0_i32_1 = arith.constant 0 : i32
    return %add3A, %c0_i32 : i32, i32
  }
  func.func @transform_4(%arg0: i32, %arg1: i32) -> (i32, i32) {
    %c0_i32 = arith.constant 0 : i32
    %c0_i32_0 = arith.constant 0 : i32
    return %arg0, %c0_i32 : i32, i32
  }
  func.func @transform_5(%arg0: i32, %arg1: i32) -> (i32, i32) {
    %c0_i32 = arith.constant 0 : i32
    %c0_i32_0 = arith.constant 0 : i32
    return %arg0, %c0_i32 : i32, i32
  }
}

module attributes {stable_mosaic.version = 14 : i64} {
  func.func @_mm2_body(%arg0: i32, %arg1: i32, %arg2: memref<1024x128xf32, #tpu.memory_space<vmem>>, %arg3: memref<1024x128xf32, #tpu.memory_space<vmem>>, %arg4: memref<1024x1xf32, #tpu.memory_space<vmem>>, %arg5: memref<1x256xf32, #tpu.memory_space<vmem>>, %arg6: memref<256x256xf32, #tpu.memory_space<vmem>>, %arg7: memref<1024x1xf32, #tpu.memory_space<vmem>>, %arg8: memref<1024x128xf32, #tpu.memory_space<vmem>>) attributes {dimension_semantics = [#tpu.dimension_semantics<arbitrary>, #tpu.dimension_semantics<arbitrary>], iteration_bounds = array<i64: 10, 2>, scalar_prefetch = 0 : i64, scratch_operands = 0 : i64, tpu.core_type = #tpu.core_type<tc>, window_params = [{transform_indices = @transform_0, window_bounds = array<i64: 1024, 128>}, {transform_indices = @transform_1, window_bounds = array<i64: 1024, 128>}, {transform_indices = @transform_2, window_bounds = array<i64: 1024, 1>}, {pipeline_mode = #tpu.pipeline_mode<synchronous>, transform_indices = @transform_3, window_bounds = array<i64: 1, 256>}, {pipeline_mode = #tpu.pipeline_mode<synchronous>, transform_indices = @transform_4, window_bounds = array<i64: 256, 256>}, {transform_indices = @transform_5, window_bounds = array<i64: 1024, 1>}, {transform_indices = @transform_6, window_bounds = array<i64: 1024, 128>}]} {
    %get3A = arith.constant 0 : index
    %get3A_0 = arith.constant 0 : index
    %get3A_1 = vector.load %arg2[%get3A, %get3A_0] : memref<1024x128xf32, #tpu.memory_space<vmem>>, vector<1024x128xf32>
    %get3A_2 = arith.constant 0 : index
    %get3A_3 = arith.constant 0 : index
    %get3A_4 = vector.load %arg3[%get3A_2, %get3A_3] : memref<1024x128xf32, #tpu.memory_space<vmem>>, vector<1024x128xf32>
    %concatenate3A = tpu.concatenate %get3A_1, %get3A_4 in 1 : vector<1024x128xf32>, vector<1024x128xf32> -> vector<1024x256xf32>
    %get3A_5 = arith.constant 0 : index
    %get3A_6 = arith.constant 0 : index
    %get3A_7 = vector.load %arg4[%get3A_5, %get3A_6] : memref<1024x1xf32, #tpu.memory_space<vmem>>, vector<1024x1xf32>
    %mul3A = vector.broadcast %get3A_7 : vector<1024x1xf32> to vector<1024x256xf32>
    %mul3A_8 = arith.mulf %concatenate3A, %mul3A : vector<1024x256xf32>
    %get3A_9 = arith.constant 0 : index
    %get3A_10 = arith.constant 0 : index
    %get3A_11 = vector.load %arg5[%get3A_9, %get3A_10] : memref<1x256xf32, #tpu.memory_space<vmem>>, vector<1x256xf32>
    %add3A = vector.broadcast %get3A_11 : vector<1x256xf32> to vector<1024x256xf32>
    %add3A_12 = arith.addf %mul3A_8, %add3A : vector<1024x256xf32>
    %max3A = arith.constant 0.000000e+00 : f32
    %max3A_13 = vector.broadcast %max3A : f32 to vector<1024x256xf32>
    %max3A_14 = arith.maximumf %add3A_12, %max3A_13 : vector<1024x256xf32>
    %get3A_15 = arith.constant 0 : index
    %get3A_16 = arith.constant 0 : index
    %get3A_17 = vector.load %arg6[%get3A_15, %get3A_16] : memref<256x256xf32, #tpu.memory_space<vmem>>, vector<256x256xf32>
    %dot_general3A = arith.constant dense<0.000000e+00> : vector<1024x256xf32>
    %dot_general3A_18 = tpu.matmul %max3A_14, %get3A_17, %dot_general3A {dimension_numbers = #tpu.dot_dimension_numbers<[1], [0], [0], [1], [0, 0, 1, 1], [], []>, precision = #tpu.contract_precision<fp32>, transpose_lhs_hint = false} : vector<1024x256xf32>, vector<256x256xf32>, vector<1024x256xf32> -> vector<1024x256xf32>
    %get3A_19 = arith.constant 0 : index
    %get3A_20 = arith.constant 0 : index
    %get3A_21 = vector.load %arg7[%get3A_19, %get3A_20] : memref<1024x1xf32, #tpu.memory_space<vmem>>, vector<1024x1xf32>
    %mul3A_22 = vector.broadcast %get3A_21 : vector<1024x1xf32> to vector<1024x256xf32>
    %mul3A_23 = arith.mulf %dot_general3A_18, %mul3A_22 : vector<1024x256xf32>
    %eq3A = arith.constant 0 : i32
    %eq3A_24 = arith.cmpi eq, %arg1, %eq3A : i32
    %slice3A = vector.extract_strided_slice %mul3A_23 {offsets = [0, 0], sizes = [1024, 128], strides = [1, 1]} : vector<1024x256xf32> to vector<1024x128xf32>
    %slice3A_25 = vector.extract_strided_slice %mul3A_23 {offsets = [0, 128], sizes = [1024, 128], strides = [1, 1]} : vector<1024x256xf32> to vector<1024x128xf32>
    %select_n3A = arith.select %eq3A_24, %slice3A, %slice3A_25 : vector<1024x128xf32>
    %swap3A = arith.constant 0 : index
    %swap3A_26 = arith.constant 0 : index
    %swap3A_27 = vector.load %arg8[%swap3A, %swap3A_26] : memref<1024x128xf32, #tpu.memory_space<vmem>>, vector<1024x128xf32>
    tpu.vector_store %arg8[%swap3A, %swap3A_26], %select_n3A {strides = array<i32>} : memref<1024x128xf32, #tpu.memory_space<vmem>>, vector<1024x128xf32>,
    return
  }
  func.func @transform_0(%arg0: i32, %arg1: i32) -> (i32, i32) {
    %c0_i32 = arith.constant 0 : i32
    %c0_i32_0 = arith.constant 0 : i32
    return %arg0, %c0_i32 : i32, i32
  }
  func.func @transform_1(%arg0: i32, %arg1: i32) -> (i32, i32) {
    %add3A = arith.constant 10 : i32
    %add3A_0 = arith.addi %arg0, %add3A : i32
    %c0_i32 = arith.constant 0 : i32
    %c0_i32_1 = arith.constant 0 : i32
    return %add3A_0, %c0_i32 : i32, i32
  }
  func.func @transform_2(%arg0: i32, %arg1: i32) -> (i32, i32) {
    %c0_i32 = arith.constant 0 : i32
    %c0_i32_0 = arith.constant 0 : i32
    return %arg0, %c0_i32 : i32, i32
  }
  func.func @transform_3(%arg0: i32, %arg1: i32) -> (i32, i32) {
    %c0_i32 = arith.constant 0 : i32
    %c0_i32_0 = arith.constant 0 : i32
    %c0_i32_1 = arith.constant 0 : i32
    return %c0_i32, %c0_i32_0 : i32, i32
  }
  func.func @transform_4(%arg0: i32, %arg1: i32) -> (i32, i32) {
    %c0_i32 = arith.constant 0 : i32
    %c0_i32_0 = arith.constant 0 : i32
    %c0_i32_1 = arith.constant 0 : i32
    return %c0_i32, %c0_i32_0 : i32, i32
  }
  func.func @transform_5(%arg0: i32, %arg1: i32) -> (i32, i32) {
    %c0_i32 = arith.constant 0 : i32
    %c0_i32_0 = arith.constant 0 : i32
    return %arg0, %c0_i32 : i32, i32
  }
  func.func @transform_6(%arg0: i32, %arg1: i32) -> (i32, i32) {
    %mul3A = arith.constant 10 : i32
    %mul3A_0 = arith.muli %arg1, %mul3A : i32
    %add3A = arith.addi %mul3A_0, %arg0 : i32
    %c0_i32 = arith.constant 0 : i32
    %c0_i32_1 = arith.constant 0 : i32
    return %add3A, %c0_i32 : i32, i32
  }
}

module attributes {stable_mosaic.version = 14 : i64} {
  func.func @_final_body(%arg0: i32, %arg1: memref<1024x128xf32, #tpu.memory_space<vmem>>, %arg2: memref<1024x128xf32, #tpu.memory_space<vmem>>, %arg3: memref<1024x1xf32, #tpu.memory_space<vmem>>, %arg4: memref<1x256xf32, #tpu.memory_space<vmem>>, %arg5: memref<1024x256xf32, #tpu.memory_space<vmem>>) attributes {dimension_semantics = [#tpu.dimension_semantics<arbitrary>], iteration_bounds = array<i64: 10>, scalar_prefetch = 0 : i64, scratch_operands = 0 : i64, tpu.core_type = #tpu.core_type<tc>, window_params = [{transform_indices = @transform_0, window_bounds = array<i64: 1024, 128>}, {transform_indices = @transform_1, window_bounds = array<i64: 1024, 128>}, {transform_indices = @transform_2, window_bounds = array<i64: 1024, 1>}, {pipeline_mode = #tpu.pipeline_mode<synchronous>, transform_indices = @transform_3, window_bounds = array<i64: 1, 256>}, {transform_indices = @transform_4, window_bounds = array<i64: 1024, 256>}]} {
    %get3A = arith.constant 0 : index
    %get3A_0 = arith.constant 0 : index
    %get3A_1 = vector.load %arg1[%get3A, %get3A_0] : memref<1024x128xf32, #tpu.memory_space<vmem>>, vector<1024x128xf32>
    %get3A_2 = arith.constant 0 : index
    %get3A_3 = arith.constant 0 : index
    %get3A_4 = vector.load %arg2[%get3A_2, %get3A_3] : memref<1024x128xf32, #tpu.memory_space<vmem>>, vector<1024x128xf32>
    %concatenate3A = tpu.concatenate %get3A_1, %get3A_4 in 1 : vector<1024x128xf32>, vector<1024x128xf32> -> vector<1024x256xf32>
    %get3A_5 = arith.constant 0 : index
    %get3A_6 = arith.constant 0 : index
    %get3A_7 = vector.load %arg3[%get3A_5, %get3A_6] : memref<1024x1xf32, #tpu.memory_space<vmem>>, vector<1024x1xf32>
    %mul3A = vector.broadcast %get3A_7 : vector<1024x1xf32> to vector<1024x256xf32>
    %mul3A_8 = arith.mulf %concatenate3A, %mul3A : vector<1024x256xf32>
    %get3A_9 = arith.constant 0 : index
    %get3A_10 = arith.constant 0 : index
    %get3A_11 = vector.load %arg4[%get3A_9, %get3A_10] : memref<1x256xf32, #tpu.memory_space<vmem>>, vector<1x256xf32>
    %add3A = vector.broadcast %get3A_11 : vector<1x256xf32> to vector<1024x256xf32>
    %add3A_12 = arith.addf %mul3A_8, %add3A : vector<1024x256xf32>
    %swap3A = arith.constant 0 : index
    %swap3A_13 = arith.constant 0 : index
    %swap3A_14 = vector.load %arg5[%swap3A, %swap3A_13] : memref<1024x256xf32, #tpu.memory_space<vmem>>, vector<1024x256xf32>
    tpu.vector_store %arg5[%swap3A, %swap3A_13], %add3A_12 {strides = array<i32>} : memref<1024x256xf32, #tpu.memory_space<vmem>>, vector<1024x256xf32>,
    return
  }
  func.func @transform_0(%arg0: i32) -> (i32, i32) {
    %c0_i32 = arith.constant 0 : i32
    %c0_i32_0 = arith.constant 0 : i32
    return %arg0, %c0_i32 : i32, i32
  }
  func.func @transform_1(%arg0: i32) -> (i32, i32) {
    %add3A = arith.constant 10 : i32
    %add3A_0 = arith.addi %arg0, %add3A : i32
    %c0_i32 = arith.constant 0 : i32
    %c0_i32_1 = arith.constant 0 : i32
    return %add3A_0, %c0_i32 : i32, i32
  }
  func.func @transform_2(%arg0: i32) -> (i32, i32) {
    %c0_i32 = arith.constant 0 : i32
    %c0_i32_0 = arith.constant 0 : i32
    return %arg0, %c0_i32 : i32, i32
  }
  func.func @transform_3(%arg0: i32) -> (i32, i32) {
    %c0_i32 = arith.constant 0 : i32
    %c0_i32_0 = arith.constant 0 : i32
    %c0_i32_1 = arith.constant 0 : i32
    return %c0_i32, %c0_i32_0 : i32, i32
  }
  func.func @transform_4(%arg0: i32) -> (i32, i32) {
    %c0_i32 = arith.constant 0 : i32
    %c0_i32_0 = arith.constant 0 : i32
    return %arg0, %c0_i32 : i32, i32
  }
}

</mosaic_0001>

<sc_bundles>
// kernel: kernel.11.cloned.1.call-start
scs
__scs_entry_jumppad:
0x0: {  	(pc) =	sbr.rel $0x88, $3  }
0x1: {  	(tag) =	ssettag $0x0;
	lr =	simm.s32 $0x1  }
0x2: {  	[smem:$0x3F9B] =	sst lr;
	_ =	strace $0xD0000000  }
0x3: {  	_ = 	snop  }
0x4: {  	_ = 	snop  }
0x5: {  	_ = 	snop  }
0x6: {  	_ = 	snop  }
0x7: {  	_ = 	snop  }
__scs_overlays_trampoline_lowered:
0x8: {  	[smem:$0x3FAA] =	sst s0  }
0x9: {  	[smem:$0x3FAB] =	sst s1  }
0xa: {  	[smem:$0x3FAC] =	sst s2  }
0xb: {  	[smem:$0x3FAD] =	sst s3  }
0xc: {  	[smem:$0x3FAE] =	sst s4  }
0xd: {  	[smem:$0x3FAF] =	sst s5  }
0xe: {  	[smem:$0x3FB0] =	sst s6  }
0xf: {  	[smem:$0x3FB1] =	sst s7  }
0x10: {  	[smem:$0x3FB2] =	sst s8  }
0x11: {  	[smem:$0x3FB3] =	sst s9;
	s0 =	simm.s32 @!p0 $0x0  }
0x12: {  	s1 =	sld [smem:$0x3F99];
	s0 =	simm.s32 @p0 $0x1  }
0x13: {  	[smem:$0x3FB4] =	sst s0;
	s0 =	simm.s32 @!p1 $0x0  }
0x14: {  	s2 =	sld [smem:$0x3F98];
	s0 =	simm.s32 @p1 $0x1  }
0x15: {  	[smem:$0x3FB5] =	sst s0;
	s0 =	simm.s32 @!p2 $0x0  }
0x16: {  	s3 =	sld [smem:$0x3FDB];
	s0 =	simm.s32 @p2 $0x1  }
0x17: {  	s4 =	simm.s32 $0x1BF5;
	[smem:$0x3FB7] =	sst s0  }
0x18: {  	s0 =	sld [smem:$0x3F9A];
	_ =	swait.ge [sflag:s4], $0x0  }
0x19: {  	s7 =	sld [smem:$0x3F9B]  }
0x1a: {  	s8 =	sadd.s32 $0xFFFFE003, lr  }
0x1b: {  	s9 =	sadd.s32 $0xFFFFFEF7, lr;
	s5 =	simm.s32 $0xFFFFFFFF;
	p2 =	slt.u32 s8, $0xFFFFF086  }
0x1c: {  	p1 =	slt.u32 s9, $0xF7A;
	s5 =	simm.s32 @!p2 $0x0  }
0x1d: {  	s5 =	simm.s32 @p1 $0x1;
	p0 =	seq.s32 s7, s2  }
0x1e: {  	s7 =	smul.u32 @!p0 $0xF7A, s2;
	p2 =	seq.s32 @!p0 s5, $0x0  }
0x1f: {  	s9 =	smul.u32 $0xF7A, s1;
	s8 =	simm.s32 @!p0 $0x1BF5;
	p2 =	por !p2, p0  }
0x20: {  	[sflag:s8] =	ssyncset.s32 @!p0 $0xFFFFF086;
	s6 =	sadd.s32 @!p0 s3, s7;
	s7 =	simm.s32 @!p0 $0x108  }
0x21: {  	s3 =	sadd.s32 s3, s9;
	s6 =	sadd.s32 @!p0 $0x88, s6;
	s7 =	simm.s32 @p2 $0x1082  }
0x22: {  	[simem:s7], [sflag:s8] =	dma.local @!p0 [hbm:s6], $0xF7A  }
0x23: {  	s9 =	sor.u32 $0xD0000000, s2;
	s6 =	simm.s32 $0x108;
	_ =	swait.ge @!p0 [sflag:s8], $0x0  }
0x24: {  	s3 =	sadd.s32 $0x88, s3;
	s6 =	simm.s32 @!p1 $0x1082;
	[sflag:s4] =	ssyncset.s32 $0xFFFFF086  }
0x25: {  	[simem:s6], [sflag:s4] =	dma.local [hbm:s3], $0xF7A  }
0x26: {  	[smem:$0x3F9B] =	sst s1;
	(tag) =	ssettag s2;
	_ =	strace s9  }
0x27: {  	s1 =	sld [smem:$0x3FAB]  }
0x28: {  	s2 =	sld [smem:$0x3FAC]  }
0x29: {  	s4 =	sld [smem:$0x3FAE]  }
0x2a: {  	p0 =	seq.s32 s5, $0x0;
	s5 =	sld [smem:$0x3FAF]  }
0x2b: {  	s6 =	sld [smem:$0x3FB0]  }
0x2c: {  	s7 =	sld [smem:$0x3FB1]  }
0x2d: {  	s3 =	simm.s32 $0x108;
	s8 =	sld [smem:$0x3FB2]  }
0x2e: {  	s3 =	simm.s32 @!p0 $0x1082;
	s9 =	sld [smem:$0x3FB3]  }
0x2f: {  	lr =	sadd.s32 s0, s3;
	s0 =	sld [smem:$0x3FAA]  }
0x30: {  	s3 =	sld [smem:$0x3FAD]  }
0x31: {  	[smem:$0x3FB6] =	sst s10  }
0x32: {  	s10 =	sld [smem:$0x3FB4];
	_ =	sdelay $0x3  }
0x33: {  	p0 =	seq.s32 s10, $0x1;
	s10 =	sld [smem:$0x3FB6];
	_ =	sdelay $0x3  }
0x34: {  	[smem:$0x3FB6] =	sst s10  }
0x35: {  	s10 =	sld [smem:$0x3FB5];
	_ =	sdelay $0x3  }
0x36: {  	p1 =	seq.s32 s10, $0x1;
	s10 =	sld [smem:$0x3FB6];
	_ =	sdelay $0x3  }
0x37: {  	[smem:$0x3FB6] =	sst s10  }
0x38: {  	s10 =	sld [smem:$0x3FB7]  }
0x39: {  	_ = 	snop;
	(pc) =	sbr.ind lr, $3  }
0x3a: {  	_ = 	snop  }
0x3b: {  	_ = 	snop  }
0x3c: {  	p2 =	seq.s32 s10, $0x1;
	s10 =	sld [smem:$0x3FB6]  }
0x3d: {  	_ =	shalt  }
0x3e: {  	_ =	shalt  }
0x3f: {  	_ =	shalt  }
0x40: {  	_ =	shalt  }
0x41: {  	_ =	shalt  }
0x42: {  	_ =	shalt  }
0x43: {  	_ =	shalt  }
0x44: {  	_ =	shalt  }
0x45: {  	_ =	shalt  }
0x46: {  	_ =	shalt  }
0x47: {  	_ =	shalt  }
0x48: {  	_ =	shalt  }
0x49: {  	_ =	shalt  }
0x4a: {  	_ =	shalt  }
0x4b: {  	_ =	shalt  }
0x4c: {  	_ =	shalt  }
0x4d: {  	_ =	shalt  }
0x4e: {  	_ =	shalt  }
0x4f: {  	_ =	shalt  }
0x50: {  	_ =	shalt  }
0x51: {  	_ =	shalt  }
0x52: {  	_ =	shalt  }
0x53: {  	_ =	shalt  }
0x54: {  	_ =	shalt  }
0x55: {  	_ =	shalt  }
0x56: {  	_ =	shalt  }
0x57: {  	_ =	shalt  }
0x58: {  	_ =	shalt  }
0x59: {  	_ =	shalt  }
0x5a: {  	_ =	shalt  }
0x5b: {  	_ =	shalt  }
0x5c: {  	_ =	shalt  }
0x5d: {  	_ =	shalt  }
0x5e: {  	_ =	shalt  }
0x5f: {  	_ =	shalt  }
0x60: {  	_ =	shalt  }
0x61: {  	_ =	shalt  }
0x62: {  	_ =	shalt  }
0x63: {  	_ =	shalt  }
0x64: {  	_ =	shalt  }
0x65: {  	_ =	shalt  }
0x66: {  	_ =	shalt  }
0x67: {  	_ =	shalt  }
0x68: {  	_ =	shalt  }
0x69: {  	_ =	shalt  }
0x6a: {  	_ =	shalt  }
0x6b: {  	_ =	shalt  }
0x6c: {  	_ =	shalt  }
0x6d: {  	_ =	shalt  }
0x6e: {  	_ =	shalt  }
0x6f: {  	_ =	shalt  }
0x70: {  	_ =	shalt  }
0x71: {  	_ =	shalt  }
0x72: {  	_ =	shalt  }
0x73: {  	_ =	shalt  }
0x74: {  	_ =	shalt  }
0x75: {  	_ =	shalt  }
0x76: {  	_ =	shalt  }
0x77: {  	_ =	shalt  }
0x78: {  	_ =	shalt  }
0x79: {  	_ =	shalt  }
0x7a: {  	_ =	shalt  }
0x7b: {  	_ =	shalt  }
0x7c: {  	_ =	shalt  }
0x7d: {  	_ =	shalt  }
0x7e: {  	_ =	shalt  }
0x7f: {  	_ =	shalt  }
0x80: {  	_ =	shalt  }
0x81: {  	_ =	shalt  }
0x82: {  	_ =	shalt  }
0x83: {  	_ =	shalt  }
0x84: {  	_ =	shalt  }
0x85: {  	_ =	shalt  }
0x86: {  	_ =	shalt  }
0x87: {  	_ =	shalt  }
.Lfunc_end0:
.L_simem_size_0:
called_computation.1_lowered:
.L_overlay_start_0:
0x88: {  	s2 =	sld [smem:$0x3FD9]  }
0x89: {  	s3 =	sld [smem:$0x3FFE];
	_ =	sdelay $0x1  }
0x8a: {  	s1 =	srdreg.scid  }
0x8b: {  	s0 =	sand.u32 $0x1, s1  }
0x8c: {  	s17 =	sshll.u32 s0, $0xA;
	s2 =	sadd.s32 s3, s2  }
0x8d: {  	s2 =	sadd.s32 s2, s17  }
0x8e: {  	[smem:$0x3FC2] =	sst s2  }
0x8f: {  	_ = 	snop  }
0x90: {  	s2 =	sld [smem:$0x3FD0];
	(tm) =	ssettm $0x1  }
0x91: {  	s18 =	sld [smem:$0x3FFB];
	_ =	sdelay $0x3  }
0x92: {  	_ =	strace s18  }
0x93: {  	s3 =	sld [smem:$0x3FFC];
	_ =	sdelay $0x3  }
0x94: {  	_ =	strace s3  }
0x95: {  	s3 =	sld [smem:$0x3FFD];
	_ =	sdelay $0x3  }
0x96: {  	_ =	strace s3  }
0x97: {  	_ =	strace $0x8FFFFFFF  }
0x98: {  	s19 =	sld [smem:$0x3FDB];
	_ =	sdelay $0x1  }
0x99: {  	s4 =	simm.s32 $_scs_section_size  }
0x9a: {  	s5 =	simm.s32 $_size__tile_overlayer_lowered;
	s6 =	simm.s32 $_tile_overlayer_lowered  }
0x9b: {  	s22 =	simm.s32 $0x1BFF;
	s21 =	sshll.u32 s6, $0x1;
	s3 =	sadd.s32 s4, s19  }
0x9c: {  	s7 =	simm.s32 $0x0;
	s20 =	sshll.u32 s5, $0x1;
	s5 =	sadd.s32 s21, s3  }
0x9d: {  	[timem:s7], [sflag:s22] =	dma.local [hbm:s5], s20  }
0x9e: {  	_ =	swait.ge [sflag:s22], s20  }
0x9f: {  	s4 =	ssub.s32 $0x0, s20;
	[sflag:s22] =	ssyncset.done $0x0  }
0xa0: {  	[sflag:s22] =	ssyncadd.s32 s4;
	_ =	sdelay $0x1  }
0xa1: {  	s23 =	simm.s32 $0x1B8B  }
0xa2: {  	_ =	swait.ge [sflag:s23], $0x1  }
0xa3: {  	[sflag:s23] =	ssyncset.done $0x0  }
0xa4: {  	s25 =	simm.s32 $0x1B8E;
	s24 =	sld [smem:$0x3FFE];
	[sflag:s23] =	ssyncadd.s32 $0xFFFFFFFF  }
0xa5: {  	s26 =	simm.s32 $execute0_lowered;
	[smem:$0x3FD2] =	sst s25  }
0xa6: {  	s5 =	sshll.u32 s26, $0x1;
	_ =	strace $0x80000049;
	[dreg:$0x1] =	wrdreg $0xFFFFFFFF  }
0xa7: {  	s28 =	simm.s32 $_size_execute0_lowered;
	s3 =	sadd.s32 s3, s5;
	[dreg:$0x0] =	wrdreg $0x0  }
0xa8: {  	s5 =	sshll.u32 s28, $0x1;
	[dreg:$0x2] =	wrdreg s3  }
0xa9: {  	[dreg:$0x3] =	wrdreg s5  }
0xaa: {  	[dreg:$0x4] =	wrdreg $0xC0  }
0xab: {  	_ =	task [dreg:s7], $0x5FFFF  }
0xac: {  	[dreg:$0x1] =	wrdreg $0xFFFFFFFF  }
0xad: {  	[dreg:$0x0] =	wrdreg $0x60  }
0xae: {  	[dreg:$0x2] =	wrdreg s24  }
0xaf: {  	[dreg:$0x3] =	wrdreg s2  }
0xb0: {  	[dreg:$0x4] =	wrdreg $0x41000  }
0xb1: {  	[dreg:$0x5] =	wrdreg $0x9  }
0xb2: {  	_ =	task.clear_ibuf [dreg:s7], $0x6FFFF;
	_ =	strace $0x90000049  }
0xb3: {  	s29 =	simm.s32 $0x9;
	_ =	strace $0x8000004B  }
0xb4: {  	_ =	swait.ge [sflag:s29], $0x1  }
0xb5: {  	[sflag:s29] =	ssyncadd.s32 $0xFFFFFFFF  }
0xb6: {  	_ =	strace $0x9000004B  }
0xb7: {  	_ =	sfence  }
0xb8: {  	s30 =	sld [smem:$0x0];
	_ =	sdelay $0x2  }
0xb9: {  	s31 =	sshll.u32 s1, $0xD;
	s1 =	sshrl.u32 s1, $0x2  }
0xba: {  	s3 =	sand.u32 $0x4000, s31;
	s1 =	sadd.s32 s1, s30  }
0xbb: {  	s0 =	sor.u32 s3, s0;
	s1 =	sshll.u32 s1, $0x11  }
0xbc: {  	s0 =	sor.u32 s1, s0  }
0xbd: {  	s0 =	sadd.s32 $0x8F2B, s0  }
0xbe: {  	[sflag:s0] =	ssyncadd.remote.s32 $0x1  }
0xbf: {  	_ =	sfence.sel $0xFFFF  }
0xc0: {  	[dreg:$0x0] =	wrdreg $0xFFFFFFFF;
	(pc) =	sbr.abs _section_cstart, $3  }
0xc1: {  	[dreg:$0x1] =	wrdreg $0xFFFFFFFF  }
0xc2: {  	_ =	task.clear_ibuf [dreg:s7], $0x2FFFF;
	_ =	strace $0x9FFFFFFF  }
0xc3: {  	(tm) =	ssettm $0x7FFFFFFF  }
tec
execute0_lowered:
.L_overlay_start_1:
0x0: {  	(tag) =	ssettag $0x1  }
0x1: {  	s6 =	rddreg [dreg:$0x0]  }
0x2: {  	s1 =	rddreg [dreg:$0x1]  }
0x3: {  	s2 =	rddreg [dreg:$0x2]  }
0x4: {  	s3 =	srdreg.scid;
	s0 =	rddreg [dreg:$0x3];
	s4 =	simm.s32 $0x0  }
0x5: {  	s14 =	simm.s32 $0x80;
	s16 =	simm.s32 $0x1;
	s7 =	sand.u32 $0x1, s3  }
0x6: {  	s17 =	simm.s32 $0x0;
	s3 =	stileid.u32;
	s15 =	smul.u32 $0x2800, s7  }
0x7: {  	[smem:$0x7FF] =	sst s4;
	s5 =	sadd.s32 $0xB600, s6;
	s8 =	smul.u32 $0x280, s3  }
0x8: {  	_ =	strace $0x8000004A;
	s9 =	smul.u32 $0x4E0, s3;
	s7 =	ssub.s32 $0x2, s7  }
0x9: {  	s10 =	smul.u32 $0x50000, s3;
	s30 =	sshll.u32 s3, $0x6;
	s31 =	smin.u32 s3, $0x2  }
0xa: {  	p0 =	slt.u32 s3, $0x2;
	s28 =	sshrl.u32 s7, $0x1;
	s8 =	sadd.s32 s8, s15  }
0xb: {  	s9 =	sadd.s32 s9, s6;
	s11 =	ssub.s32 s7, s28;
	s29 =	sshrl.u32 s10, $0x2  }
0xc: {  	s7 =	simm.s32 $0x4F;
	s10 =	sshll.u32 s31, $0x4;
	v0 =	vmov s15;
	s15 =	simm.s32 $0x100  }
0xd: {  	s8 =	sshll.u32 s8, $0x4;
	s12 =	sadd.s32 s29, s2;
	s7 =	simm.s32 @!p0 $0x4E  }
0xe: {  	s13 =	sadd.s32 s10, s9;
	s9 =	smax.u32 s11, $0x1;
	s8 =	sadd.s32 s8, s6  }
0xf: {  	s6 =	sor.u32 $0x1C02, s30;
	s10 =	sadd.s32 $0x1600, s13;
	s11 =	sadd.s32 $0x6600, s13  }
0x10: {  	s12 =	sshrl.u32 s12, $0x3;
	s13 =	simm.s32 $0x2;
	s8 =	sadd.s32 $0x5B600, s8  }
.LBB2_1:
0x11: {  	[spmem:s12], [sflag:s6] =	dma.local [hbm:s1], $0x2800  }
0x12: {  	_ =	swait.ge [sflag:s13], $0x2800  }
0x13: {  	[sflag:s13] =	ssyncset.done $0x0  }
0x14: {  	[sflag:s13] =	ssyncadd.s32 $0xFFFFD800  }
0x15: {  	[bflag:$0x0] =	sbarrier.arrive $0xFFFF  }
0x16: {  	[tilespmem:s4], [sflag:$0x2] =	stream.linear.gather [hbm4b:s11+s4], $0x80, $0x38;
	[tilespmem:$0x18100] =	vst v63  }
0x17: {  	_ =	swait.ge [sflag:s13], $0x80  }
0x18: {  	[sflag:s13] =	ssyncset.done $0x0  }
0x19: {  	[sflag:s13] =	ssyncadd.s32 $0xFFFFFF80  }
0x1a: {  	[tilespmem:s14], [sflag:$0x2] =	stream.linear.gather [hbm4b:s10+s4], $0x80, $0x38;
	[tilespmem:$0x18100] =	vst v63  }
0x1b: {  	_ =	swait.ge [sflag:s13], $0x80  }
0x1c: {  	[sflag:s13] =	ssyncset.done $0x0  }
0x1d: {  	[sflag:s13] =	ssyncadd.s32 $0xFFFFFF80  }
0x1e: {  	v1 =	vld [tilespmem:$0x70]  }
0x1f: {  	v2 =	vld [tilespmem:$0x60]  }
0x20: {  	v3 =	vld [tilespmem:$0x50]  }
0x21: {  	v4 =	vld [tilespmem:$0x30]  }
0x22: {  	v5 =	vld [tilespmem:$0x20]  }
0x23: {  	v6 =	vld [tilespmem:$0x10];
	v1 =	vadd.s32 v0, v1  }
0x24: {  	v7 =	vld [tilespmem:$0x40];
	v2 =	vadd.s32 v0, v2;
	[tilespmem:$0x70] =	vst v1  }
0x25: {  	v3 =	vadd.s32 v0, v3;
	v1 =	vld [tilespmem:$0x0];
	[tilespmem:$0x60] =	vst v2  }
0x26: {  	p0 =	sne.s32 s7, $0x1;
	v2 =	vadd.s32 v0, v4;
	[tilespmem:$0x50] =	vst v3  }
.Ltmp0:
0x27: {  	v3 =	vadd.s32 v0, v5;
	[tilespmem:$0x30] =	vst v2;
	(pc) =	sbr.rel @!p0 .LBB2_3-.Ltmp0, $4  }
0x28: {  	v2 =	vadd.s32 v0, v6;
	[tilespmem:$0x20] =	vst v3  }
0x29: {  	[tilespmem:$0x10] =	vst v2;
	v2 =	vadd.s32 v0, v7  }
0x2a: {  	[tilespmem:$0x40] =	vst v2;
	v1 =	vadd.s32 v0, v1  }
0x2b: {  	s18 =	sadd.s32 $0xFFFFFFFF, s7;
	s19 =	sadd.s32 $0x10, s10;
	s20 =	sadd.s32 $0x10, s11;
	[tilespmem:$0x0] =	vst v1  }
.LBB2_2:
0x2c: {  	[tilespmem:s15], [sflag:$0x1] =	stream.indirect.gather [hbm4b:s5+s14], $0x80, s4, s14, $0xb8;
	[tilespmem:$0x18100] =	vst v63  }
0x2d: {  	p0 =	sne.s32 s18, $0x1;
	s18 =	sadd.s32 $0xFFFFFFFF, s18;
	_ =	swait.ge [sflag:s16], $0x4000  }
0x2e: {  	[sflag:s16] =	ssyncset.done $0x0  }
0x2f: {  	[sflag:s16] =	ssyncadd.s32 $0xFFFFC000  }
0x30: {  	[spmem:s2] =	stream.indirect.scatter.add.f32 [tilespmem:s15], [sflag:$0x2], $0x80, s14, s14, $0xb8;
	[tilespmem:$0x18100] =	vst v63  }
0x31: {  	_ =	swait.ge [sflag:s13], $0x4000  }
0x32: {  	[sflag:s13] =	ssyncset.done $0x0  }
0x33: {  	[sflag:s13] =	ssyncadd.s32 $0xFFFFC000  }
0x34: {  	[tilespmem:s4], [sflag:$0x2] =	stream.linear.gather [hbm4b:s20+s4], $0x80, $0x38;
	[tilespmem:$0x18100] =	vst v63  }
0x35: {  	_ =	swait.ge [sflag:s13], $0x80  }
0x36: {  	[sflag:s13] =	ssyncset.done $0x0  }
0x37: {  	[sflag:s13] =	ssyncadd.s32 $0xFFFFFF80  }
0x38: {  	[tilespmem:s14], [sflag:$0x2] =	stream.linear.gather [hbm4b:s19+s4], $0x80, $0x38;
	[tilespmem:$0x18100] =	vst v63  }
0x39: {  	_ =	swait.ge [sflag:s13], $0x80  }
0x3a: {  	[sflag:s13] =	ssyncset.done $0x0  }
0x3b: {  	[sflag:s13] =	ssyncadd.s32 $0xFFFFFF80  }
0x3c: {  	v1 =	vld [tilespmem:$0x70]  }
0x3d: {  	v2 =	vld [tilespmem:$0x60]  }
0x3e: {  	v3 =	vld [tilespmem:$0x50]  }
0x3f: {  	v4 =	vld [tilespmem:$0x30]  }
0x40: {  	v5 =	vld [tilespmem:$0x20]  }
0x41: {  	v6 =	vld [tilespmem:$0x10];
	v1 =	vadd.s32 v0, v1  }
0x42: {  	v7 =	vld [tilespmem:$0x40];
	v2 =	vadd.s32 v0, v2;
	[tilespmem:$0x70] =	vst v1  }
0x43: {  	v1 =	vld [tilespmem:$0x0];
	v3 =	vadd.s32 v0, v3;
	[tilespmem:$0x60] =	vst v2  }
0x44: {  	v2 =	vadd.s32 v0, v4;
	[tilespmem:$0x50] =	vst v3  }
.Ltmp1:
0x45: {  	v3 =	vadd.s32 v0, v5;
	[tilespmem:$0x30] =	vst v2;
	(pc) =	sbr.rel @p0 .LBB2_2-.Ltmp1, $4  }
0x46: {  	v2 =	vadd.s32 v0, v6;
	[tilespmem:$0x20] =	vst v3  }
0x47: {  	[tilespmem:$0x10] =	vst v2;
	v2 =	vadd.s32 v0, v7  }
0x48: {  	v1 =	vadd.s32 v0, v1;
	[tilespmem:$0x40] =	vst v2  }
0x49: {  	s20 =	sadd.s32 $0x10, s20;
	s19 =	sadd.s32 $0x10, s19;
	[tilespmem:$0x0] =	vst v1  }
.LBB2_3:
0x4a: {  	[tilespmem:s15], [sflag:$0x1] =	stream.indirect.gather [hbm4b:s5+s14], $0x80, s4, s14, $0xb8;
	[tilespmem:$0x18100] =	vst v63  }
0x4b: {  	_ =	swait.ge [sflag:s16], $0x4000  }
0x4c: {  	[sflag:s16] =	ssyncset.done $0x0  }
0x4d: {  	[sflag:s16] =	ssyncadd.s32 $0xFFFFC000  }
0x4e: {  	[spmem:s2] =	stream.indirect.scatter.add.f32 [tilespmem:s15], [sflag:$0x2], $0x80, s14, s14, $0xb8;
	[tilespmem:$0x18100] =	vst v63  }
0x4f: {  	_ =	swait.ge [sflag:s13], $0x4000  }
0x50: {  	s17 =	sadd.s32 $0x1, s17;
	[sflag:s13] =	ssyncset.done $0x0  }
0x51: {  	p0 =	sne.s32 s17, s9;
	[sflag:s13] =	ssyncadd.s32 $0xFFFFC000  }
.Ltmp2:
0x52: {  	[bflag:$0x0] =	sbarrier.arrive $0xFFFF;
	(pc) =	sbr.rel @p0 .LBB2_1-.Ltmp2, $4  }
0x53: {  	[hbm:s8], [sflag:s6] =	dma.local [spmem:s12], $0x2800  }
0x54: {  	_ =	swait.ge [sflag:s13], $0x2800  }
0x55: {  	[sflag:s13] =	ssyncset.done $0x0  }
0x56: {  	[sflag:s13] =	ssyncadd.s32 $0xFFFFD800  }
0x57: {  	_ =	sfence.sel $0x180000  }
0x58: {  	[bflag:$0x0] =	sbarrier.arrive $0xFFFF  }
0x59: {  	p0 =	sne.s32 s3, $0x0;
	_ =	strace $0x9000004A  }
0x5a: {  	s0 =	sadd.s32 @!p0 $0x100000, s0;
	[bflag:$0x2] =	sbarrier.arrive $0xFFFF  }
0x5b: {  	[sflag:s0] =	ssyncadd.tile.s32 @!p0 $0x1;
	_ =	shalt  }
.Lfunc_end2:
_tile_overlayer_lowered:
.L_overlay_start_2:
0x5c: {  	(tag) =	ssettag $0x2  }
0x5d: {  	s0 =	rddreg [dreg:$0x0];
	s2 =	stileid.u32  }
0x5e: {  	s1 =	rddreg [dreg:$0x1];
	p0 =	sne.s32 s2, $0x0  }
0x5f: {  	s3 =	rddreg [dreg:$0x2];
	[bflag:$0x3] =	sbarrier.arrive $0xFFFF;
	s2 =	simm.s32 @!p0 $0x1C02  }
0x60: {  	[timem:s3], [sflag:s2] =	dma.local @!p0 [hbm:s0], s1  }
0x61: {  	s0 =	simm.s32 @!p0 $0x2  }
0x62: {  	_ =	swait.ge @!p0 [sflag:s0], s1  }
0x63: {  	s1 =	ssub.s32 @!p0 $0x0, s1;
	[sflag:s0] =	ssyncset.done @!p0 $0x0  }
0x64: {  	[sflag:s0] =	ssyncadd.s32 @!p0 s1  }
0x65: {  	[bflag:$0x3] =	sbarrier.arrive $0xFFFF  }
0x66: {  	_ =	shalt  }

// kernel: kernel.14.cloned.1.call-start
scs
__scs_entry_jumppad:
0x0: {  	(pc) =	sbr.rel $0x88, $3  }
0x1: {  	(tag) =	ssettag $0x0;
	lr =	simm.s32 $0x1  }
0x2: {  	[smem:$0x3F9B] =	sst lr;
	_ =	strace $0xD0000000  }
0x3: {  	_ = 	snop  }
0x4: {  	_ = 	snop  }
0x5: {  	_ = 	snop  }
0x6: {  	_ = 	snop  }
0x7: {  	_ = 	snop  }
__scs_overlays_trampoline_lowered:
0x8: {  	[smem:$0x3FAA] =	sst s0  }
0x9: {  	[smem:$0x3FAB] =	sst s1  }
0xa: {  	[smem:$0x3FAC] =	sst s2  }
0xb: {  	[smem:$0x3FAD] =	sst s3  }
0xc: {  	[smem:$0x3FAE] =	sst s4  }
0xd: {  	[smem:$0x3FAF] =	sst s5  }
0xe: {  	[smem:$0x3FB0] =	sst s6  }
0xf: {  	[smem:$0x3FB1] =	sst s7  }
0x10: {  	[smem:$0x3FB2] =	sst s8  }
0x11: {  	[smem:$0x3FB3] =	sst s9;
	s0 =	simm.s32 @!p0 $0x0  }
0x12: {  	s1 =	sld [smem:$0x3F99];
	s0 =	simm.s32 @p0 $0x1  }
0x13: {  	[smem:$0x3FB4] =	sst s0;
	s0 =	simm.s32 @!p1 $0x0  }
0x14: {  	s2 =	sld [smem:$0x3F98];
	s0 =	simm.s32 @p1 $0x1  }
0x15: {  	[smem:$0x3FB5] =	sst s0;
	s0 =	simm.s32 @!p2 $0x0  }
0x16: {  	s3 =	sld [smem:$0x3FDB];
	s0 =	simm.s32 @p2 $0x1  }
0x17: {  	s4 =	simm.s32 $0x1BF5;
	[smem:$0x3FB7] =	sst s0  }
0x18: {  	s0 =	sld [smem:$0x3F9A];
	_ =	swait.ge [sflag:s4], $0x0  }
0x19: {  	s7 =	sld [smem:$0x3F9B]  }
0x1a: {  	s8 =	sadd.s32 $0xFFFFE003, lr  }
0x1b: {  	s9 =	sadd.s32 $0xFFFFFEF7, lr;
	s5 =	simm.s32 $0xFFFFFFFF;
	p2 =	slt.u32 s8, $0xFFFFF086  }
0x1c: {  	p1 =	slt.u32 s9, $0xF7A;
	s5 =	simm.s32 @!p2 $0x0  }
0x1d: {  	s5 =	simm.s32 @p1 $0x1;
	p0 =	seq.s32 s7, s2  }
0x1e: {  	s7 =	smul.u32 @!p0 $0xF7A, s2;
	p2 =	seq.s32 @!p0 s5, $0x0  }
0x1f: {  	s9 =	smul.u32 $0xF7A, s1;
	s8 =	simm.s32 @!p0 $0x1BF5;
	p2 =	por !p2, p0  }
0x20: {  	[sflag:s8] =	ssyncset.s32 @!p0 $0xFFFFF086;
	s6 =	sadd.s32 @!p0 s3, s7;
	s7 =	simm.s32 @!p0 $0x108  }
0x21: {  	s3 =	sadd.s32 s3, s9;
	s6 =	sadd.s32 @!p0 $0x88, s6;
	s7 =	simm.s32 @p2 $0x1082  }
0x22: {  	[simem:s7], [sflag:s8] =	dma.local @!p0 [hbm:s6], $0xF7A  }
0x23: {  	s9 =	sor.u32 $0xD0000000, s2;
	s6 =	simm.s32 $0x108;
	_ =	swait.ge @!p0 [sflag:s8], $0x0  }
0x24: {  	s3 =	sadd.s32 $0x88, s3;
	s6 =	simm.s32 @!p1 $0x1082;
	[sflag:s4] =	ssyncset.s32 $0xFFFFF086  }
0x25: {  	[simem:s6], [sflag:s4] =	dma.local [hbm:s3], $0xF7A  }
0x26: {  	[smem:$0x3F9B] =	sst s1;
	(tag) =	ssettag s2;
	_ =	strace s9  }
0x27: {  	s1 =	sld [smem:$0x3FAB]  }
0x28: {  	s2 =	sld [smem:$0x3FAC]  }
0x29: {  	s4 =	sld [smem:$0x3FAE]  }
0x2a: {  	p0 =	seq.s32 s5, $0x0;
	s5 =	sld [smem:$0x3FAF]  }
0x2b: {  	s6 =	sld [smem:$0x3FB0]  }
0x2c: {  	s7 =	sld [smem:$0x3FB1]  }
0x2d: {  	s3 =	simm.s32 $0x108;
	s8 =	sld [smem:$0x3FB2]  }
0x2e: {  	s3 =	simm.s32 @!p0 $0x1082;
	s9 =	sld [smem:$0x3FB3]  }
0x2f: {  	lr =	sadd.s32 s0, s3;
	s0 =	sld [smem:$0x3FAA]  }
0x30: {  	s3 =	sld [smem:$0x3FAD]  }
0x31: {  	[smem:$0x3FB6] =	sst s10  }
0x32: {  	s10 =	sld [smem:$0x3FB4];
	_ =	sdelay $0x3  }
0x33: {  	p0 =	seq.s32 s10, $0x1;
	s10 =	sld [smem:$0x3FB6];
	_ =	sdelay $0x3  }
0x34: {  	[smem:$0x3FB6] =	sst s10  }
0x35: {  	s10 =	sld [smem:$0x3FB5];
	_ =	sdelay $0x3  }
0x36: {  	p1 =	seq.s32 s10, $0x1;
	s10 =	sld [smem:$0x3FB6];
	_ =	sdelay $0x3  }
0x37: {  	[smem:$0x3FB6] =	sst s10  }
0x38: {  	s10 =	sld [smem:$0x3FB7]  }
0x39: {  	_ = 	snop;
	(pc) =	sbr.ind lr, $3  }
0x3a: {  	_ = 	snop  }
0x3b: {  	_ = 	snop  }
0x3c: {  	p2 =	seq.s32 s10, $0x1;
	s10 =	sld [smem:$0x3FB6]  }
0x3d: {  	_ =	shalt  }
0x3e: {  	_ =	shalt  }
0x3f: {  	_ =	shalt  }
0x40: {  	_ =	shalt  }
0x41: {  	_ =	shalt  }
0x42: {  	_ =	shalt  }
0x43: {  	_ =	shalt  }
0x44: {  	_ =	shalt  }
0x45: {  	_ =	shalt  }
0x46: {  	_ =	shalt  }
0x47: {  	_ =	shalt  }
0x48: {  	_ =	shalt  }
0x49: {  	_ =	shalt  }
0x4a: {  	_ =	shalt  }
0x4b: {  	_ =	shalt  }
0x4c: {  	_ =	shalt  }
0x4d: {  	_ =	shalt  }
0x4e: {  	_ =	shalt  }
0x4f: {  	_ =	shalt  }
0x50: {  	_ =	shalt  }
0x51: {  	_ =	shalt  }
0x52: {  	_ =	shalt  }
0x53: {  	_ =	shalt  }
0x54: {  	_ =	shalt  }
0x55: {  	_ =	shalt  }
0x56: {  	_ =	shalt  }
0x57: {  	_ =	shalt  }
0x58: {  	_ =	shalt  }
0x59: {  	_ =	shalt  }
0x5a: {  	_ =	shalt  }
0x5b: {  	_ =	shalt  }
0x5c: {  	_ =	shalt  }
0x5d: {  	_ =	shalt  }
0x5e: {  	_ =	shalt  }
0x5f: {  	_ =	shalt  }
0x60: {  	_ =	shalt  }
0x61: {  	_ =	shalt  }
0x62: {  	_ =	shalt  }
0x63: {  	_ =	shalt  }
0x64: {  	_ =	shalt  }
0x65: {  	_ =	shalt  }
0x66: {  	_ =	shalt  }
0x67: {  	_ =	shalt  }
0x68: {  	_ =	shalt  }
0x69: {  	_ =	shalt  }
0x6a: {  	_ =	shalt  }
0x6b: {  	_ =	shalt  }
0x6c: {  	_ =	shalt  }
0x6d: {  	_ =	shalt  }
0x6e: {  	_ =	shalt  }
0x6f: {  	_ =	shalt  }
0x70: {  	_ =	shalt  }
0x71: {  	_ =	shalt  }
0x72: {  	_ =	shalt  }
0x73: {  	_ =	shalt  }
0x74: {  	_ =	shalt  }
0x75: {  	_ =	shalt  }
0x76: {  	_ =	shalt  }
0x77: {  	_ =	shalt  }
0x78: {  	_ =	shalt  }
0x79: {  	_ =	shalt  }
0x7a: {  	_ =	shalt  }
0x7b: {  	_ =	shalt  }
0x7c: {  	_ =	shalt  }
0x7d: {  	_ =	shalt  }
0x7e: {  	_ =	shalt  }
0x7f: {  	_ =	shalt  }
0x80: {  	_ =	shalt  }
0x81: {  	_ =	shalt  }
0x82: {  	_ =	shalt  }
0x83: {  	_ =	shalt  }
0x84: {  	_ =	shalt  }
0x85: {  	_ =	shalt  }
0x86: {  	_ =	shalt  }
0x87: {  	_ =	shalt  }
.Lfunc_end0:
.L_simem_size_0:
called_computation.2_lowered:
.L_overlay_start_0:
0x88: {  	s2 =	sld [smem:$0x3FD9]  }
0x89: {  	s3 =	sld [smem:$0x3FFE];
	_ =	sdelay $0x1  }
0x8a: {  	s1 =	srdreg.scid  }
0x8b: {  	s0 =	sand.u32 $0x1, s1  }
0x8c: {  	s17 =	sshll.u32 s0, $0xA;
	s2 =	sadd.s32 s3, s2  }
0x8d: {  	s2 =	sadd.s32 s2, s17  }
0x8e: {  	[smem:$0x3FC2] =	sst s2  }
0x8f: {  	_ = 	snop  }
0x90: {  	s2 =	sld [smem:$0x3FD0];
	(tm) =	ssettm $0x1  }
0x91: {  	s18 =	sld [smem:$0x3FFB];
	_ =	sdelay $0x3  }
0x92: {  	_ =	strace s18  }
0x93: {  	s3 =	sld [smem:$0x3FFC];
	_ =	sdelay $0x3  }
0x94: {  	_ =	strace s3  }
0x95: {  	s3 =	sld [smem:$0x3FFD];
	_ =	sdelay $0x3  }
0x96: {  	_ =	strace s3  }
0x97: {  	_ =	strace $0x8FFFFFFF  }
0x98: {  	s19 =	sld [smem:$0x3FDB];
	_ =	sdelay $0x1  }
0x99: {  	s4 =	simm.s32 $_scs_section_size  }
0x9a: {  	s5 =	simm.s32 $_size__tile_overlayer_lowered;
	s6 =	simm.s32 $_tile_overlayer_lowered  }
0x9b: {  	s22 =	simm.s32 $0x1BFF;
	s21 =	sshll.u32 s6, $0x1;
	s3 =	sadd.s32 s4, s19  }
0x9c: {  	s7 =	simm.s32 $0x0;
	s20 =	sshll.u32 s5, $0x1;
	s5 =	sadd.s32 s21, s3  }
0x9d: {  	[timem:s7], [sflag:s22] =	dma.local [hbm:s5], s20  }
0x9e: {  	_ =	swait.ge [sflag:s22], s20  }
0x9f: {  	s4 =	ssub.s32 $0x0, s20;
	[sflag:s22] =	ssyncset.done $0x0  }
0xa0: {  	[sflag:s22] =	ssyncadd.s32 s4;
	_ =	sdelay $0x1  }
0xa1: {  	s23 =	simm.s32 $0x1B8B  }
0xa2: {  	_ =	swait.ge [sflag:s23], $0x1  }
0xa3: {  	[sflag:s23] =	ssyncset.done $0x0  }
0xa4: {  	s25 =	simm.s32 $0x1B8E;
	s24 =	sld [smem:$0x3FFE];
	[sflag:s23] =	ssyncadd.s32 $0xFFFFFFFF  }
0xa5: {  	s26 =	simm.s32 $execute0_lowered;
	[smem:$0x3FD2] =	sst s25  }
0xa6: {  	s5 =	sshll.u32 s26, $0x1;
	_ =	strace $0x8000004C;
	[dreg:$0x1] =	wrdreg $0xFFFFFFFF  }
0xa7: {  	s28 =	simm.s32 $_size_execute0_lowered;
	s3 =	sadd.s32 s3, s5;
	[dreg:$0x0] =	wrdreg $0x0  }
0xa8: {  	s5 =	sshll.u32 s28, $0x1;
	[dreg:$0x2] =	wrdreg s3  }
0xa9: {  	[dreg:$0x3] =	wrdreg s5  }
0xaa: {  	[dreg:$0x4] =	wrdreg $0xC0  }
0xab: {  	_ =	task [dreg:s7], $0x5FFFF  }
0xac: {  	[dreg:$0x1] =	wrdreg $0xFFFFFFFF  }
0xad: {  	[dreg:$0x0] =	wrdreg $0x60  }
0xae: {  	[dreg:$0x2] =	wrdreg s24  }
0xaf: {  	[dreg:$0x3] =	wrdreg s2  }
0xb0: {  	[dreg:$0x4] =	wrdreg $0x41000  }
0xb1: {  	[dreg:$0x5] =	wrdreg $0x9  }
0xb2: {  	_ =	task.clear_ibuf [dreg:s7], $0x6FFFF;
	_ =	strace $0x9000004C  }
0xb3: {  	s29 =	simm.s32 $0x9;
	_ =	strace $0x8000004E  }
0xb4: {  	_ =	swait.ge [sflag:s29], $0x1  }
0xb5: {  	[sflag:s29] =	ssyncadd.s32 $0xFFFFFFFF  }
0xb6: {  	_ =	strace $0x9000004E  }
0xb7: {  	_ =	sfence  }
0xb8: {  	s30 =	sld [smem:$0x0];
	_ =	sdelay $0x2  }
0xb9: {  	s31 =	sshll.u32 s1, $0xD;
	s1 =	sshrl.u32 s1, $0x2  }
0xba: {  	s3 =	sand.u32 $0x4000, s31;
	s1 =	sadd.s32 s1, s30  }
0xbb: {  	s0 =	sor.u32 s3, s0;
	s1 =	sshll.u32 s1, $0x11  }
0xbc: {  	s0 =	sor.u32 s1, s0  }
0xbd: {  	s0 =	sadd.s32 $0x8F2B, s0  }
0xbe: {  	[sflag:s0] =	ssyncadd.remote.s32 $0x1  }
0xbf: {  	_ =	sfence.sel $0xFFFF  }
0xc0: {  	[dreg:$0x0] =	wrdreg $0xFFFFFFFF;
	(pc) =	sbr.abs _section_cstart, $3  }
0xc1: {  	[dreg:$0x1] =	wrdreg $0xFFFFFFFF  }
0xc2: {  	_ =	task.clear_ibuf [dreg:s7], $0x2FFFF;
	_ =	strace $0x9FFFFFFF  }
0xc3: {  	(tm) =	ssettm $0x7FFFFFFF  }
tec
execute0_lowered:
.L_overlay_start_1:
0x0: {  	(tag) =	ssettag $0x1  }
0x1: {  	s6 =	rddreg [dreg:$0x0]  }
0x2: {  	s1 =	rddreg [dreg:$0x1]  }
0x3: {  	s2 =	rddreg [dreg:$0x2]  }
0x4: {  	s3 =	srdreg.scid;
	s0 =	rddreg [dreg:$0x3];
	s4 =	simm.s32 $0x0  }
0x5: {  	s14 =	simm.s32 $0x80;
	s16 =	simm.s32 $0x1;
	s7 =	sand.u32 $0x1, s3  }
0x6: {  	s17 =	simm.s32 $0x0;
	s3 =	stileid.u32;
	s15 =	smul.u32 $0x2800, s7  }
0x7: {  	[smem:$0x7FF] =	sst s4;
	s5 =	sadd.s32 $0xB600, s6;
	s8 =	smul.u32 $0x280, s3  }
0x8: {  	_ =	strace $0x8000004D;
	s9 =	smul.u32 $0x4E0, s3;
	s7 =	ssub.s32 $0x2, s7  }
0x9: {  	s10 =	smul.u32 $0x50000, s3;
	s30 =	sshll.u32 s3, $0x6;
	s31 =	smin.u32 s3, $0x2  }
0xa: {  	p0 =	slt.u32 s3, $0x2;
	s28 =	sshrl.u32 s7, $0x1;
	s8 =	sadd.s32 s8, s15  }
0xb: {  	s9 =	sadd.s32 s9, s6;
	s11 =	ssub.s32 s7, s28;
	s29 =	sshrl.u32 s10, $0x2  }
0xc: {  	s7 =	simm.s32 $0x4F;
	s10 =	sshll.u32 s31, $0x4;
	v0 =	vmov s15;
	s15 =	simm.s32 $0x100  }
0xd: {  	s8 =	sshll.u32 s8, $0x4;
	s12 =	sadd.s32 s29, s2;
	s7 =	simm.s32 @!p0 $0x4E  }
0xe: {  	s13 =	sadd.s32 s10, s9;
	s9 =	smax.u32 s11, $0x1;
	s8 =	sadd.s32 s8, s6  }
0xf: {  	s6 =	sor.u32 $0x1C02, s30;
	s10 =	sadd.s32 $0x1600, s13;
	s11 =	sadd.s32 $0x6600, s13  }
0x10: {  	s12 =	sshrl.u32 s12, $0x3;
	s13 =	simm.s32 $0x2;
	s8 =	sadd.s32 $0x5B600, s8  }
.LBB2_1:
0x11: {  	[spmem:s12], [sflag:s6] =	dma.local [hbm:s1], $0x2800  }
0x12: {  	_ =	swait.ge [sflag:s13], $0x2800  }
0x13: {  	[sflag:s13] =	ssyncset.done $0x0  }
0x14: {  	[sflag:s13] =	ssyncadd.s32 $0xFFFFD800  }
0x15: {  	[bflag:$0x0] =	sbarrier.arrive $0xFFFF  }
0x16: {  	[tilespmem:s4], [sflag:$0x2] =	stream.linear.gather [hbm4b:s11+s4], $0x80, $0x38;
	[tilespmem:$0x18100] =	vst v63  }
0x17: {  	_ =	swait.ge [sflag:s13], $0x80  }
0x18: {  	[sflag:s13] =	ssyncset.done $0x0  }
0x19: {  	[sflag:s13] =	ssyncadd.s32 $0xFFFFFF80  }
0x1a: {  	[tilespmem:s14], [sflag:$0x2] =	stream.linear.gather [hbm4b:s10+s4], $0x80, $0x38;
	[tilespmem:$0x18100] =	vst v63  }
0x1b: {  	_ =	swait.ge [sflag:s13], $0x80  }
0x1c: {  	[sflag:s13] =	ssyncset.done $0x0  }
0x1d: {  	[sflag:s13] =	ssyncadd.s32 $0xFFFFFF80  }
0x1e: {  	v1 =	vld [tilespmem:$0x70]  }
0x1f: {  	v2 =	vld [tilespmem:$0x60]  }
0x20: {  	v3 =	vld [tilespmem:$0x50]  }
0x21: {  	v4 =	vld [tilespmem:$0x30]  }
0x22: {  	v5 =	vld [tilespmem:$0x20]  }
0x23: {  	v6 =	vld [tilespmem:$0x10];
	v1 =	vadd.s32 v0, v1  }
0x24: {  	v7 =	vld [tilespmem:$0x40];
	v2 =	vadd.s32 v0, v2;
	[tilespmem:$0x70] =	vst v1  }
0x25: {  	v3 =	vadd.s32 v0, v3;
	v1 =	vld [tilespmem:$0x0];
	[tilespmem:$0x60] =	vst v2  }
0x26: {  	p0 =	sne.s32 s7, $0x1;
	v2 =	vadd.s32 v0, v4;
	[tilespmem:$0x50] =	vst v3  }
.Ltmp0:
0x27: {  	v3 =	vadd.s32 v0, v5;
	[tilespmem:$0x30] =	vst v2;
	(pc) =	sbr.rel @!p0 .LBB2_3-.Ltmp0, $4  }
0x28: {  	v2 =	vadd.s32 v0, v6;
	[tilespmem:$0x20] =	vst v3  }
0x29: {  	[tilespmem:$0x10] =	vst v2;
	v2 =	vadd.s32 v0, v7  }
0x2a: {  	[tilespmem:$0x40] =	vst v2;
	v1 =	vadd.s32 v0, v1  }
0x2b: {  	s18 =	sadd.s32 $0xFFFFFFFF, s7;
	s19 =	sadd.s32 $0x10, s10;
	s20 =	sadd.s32 $0x10, s11;
	[tilespmem:$0x0] =	vst v1  }
.LBB2_2:
0x2c: {  	[tilespmem:s15], [sflag:$0x1] =	stream.indirect.gather [hbm4b:s5+s14], $0x80, s4, s14, $0xb8;
	[tilespmem:$0x18100] =	vst v63  }
0x2d: {  	p0 =	sne.s32 s18, $0x1;
	s18 =	sadd.s32 $0xFFFFFFFF, s18;
	_ =	swait.ge [sflag:s16], $0x4000  }
0x2e: {  	[sflag:s16] =	ssyncset.done $0x0  }
0x2f: {  	[sflag:s16] =	ssyncadd.s32 $0xFFFFC000  }
0x30: {  	[spmem:s2] =	stream.indirect.scatter.add.f32 [tilespmem:s15], [sflag:$0x2], $0x80, s14, s14, $0xb8;
	[tilespmem:$0x18100] =	vst v63  }
0x31: {  	_ =	swait.ge [sflag:s13], $0x4000  }
0x32: {  	[sflag:s13] =	ssyncset.done $0x0  }
0x33: {  	[sflag:s13] =	ssyncadd.s32 $0xFFFFC000  }
0x34: {  	[tilespmem:s4], [sflag:$0x2] =	stream.linear.gather [hbm4b:s20+s4], $0x80, $0x38;
	[tilespmem:$0x18100] =	vst v63  }
0x35: {  	_ =	swait.ge [sflag:s13], $0x80  }
0x36: {  	[sflag:s13] =	ssyncset.done $0x0  }
0x37: {  	[sflag:s13] =	ssyncadd.s32 $0xFFFFFF80  }
0x38: {  	[tilespmem:s14], [sflag:$0x2] =	stream.linear.gather [hbm4b:s19+s4], $0x80, $0x38;
	[tilespmem:$0x18100] =	vst v63  }
0x39: {  	_ =	swait.ge [sflag:s13], $0x80  }
0x3a: {  	[sflag:s13] =	ssyncset.done $0x0  }
0x3b: {  	[sflag:s13] =	ssyncadd.s32 $0xFFFFFF80  }
0x3c: {  	v1 =	vld [tilespmem:$0x70]  }
0x3d: {  	v2 =	vld [tilespmem:$0x60]  }
0x3e: {  	v3 =	vld [tilespmem:$0x50]  }
0x3f: {  	v4 =	vld [tilespmem:$0x30]  }
0x40: {  	v5 =	vld [tilespmem:$0x20]  }
0x41: {  	v6 =	vld [tilespmem:$0x10];
	v1 =	vadd.s32 v0, v1  }
0x42: {  	v7 =	vld [tilespmem:$0x40];
	v2 =	vadd.s32 v0, v2;
	[tilespmem:$0x70] =	vst v1  }
0x43: {  	v1 =	vld [tilespmem:$0x0];
	v3 =	vadd.s32 v0, v3;
	[tilespmem:$0x60] =	vst v2  }
0x44: {  	v2 =	vadd.s32 v0, v4;
	[tilespmem:$0x50] =	vst v3  }
.Ltmp1:
0x45: {  	v3 =	vadd.s32 v0, v5;
	[tilespmem:$0x30] =	vst v2;
	(pc) =	sbr.rel @p0 .LBB2_2-.Ltmp1, $4  }
0x46: {  	v2 =	vadd.s32 v0, v6;
	[tilespmem:$0x20] =	vst v3  }
0x47: {  	[tilespmem:$0x10] =	vst v2;
	v2 =	vadd.s32 v0, v7  }
0x48: {  	v1 =	vadd.s32 v0, v1;
	[tilespmem:$0x40] =	vst v2  }
0x49: {  	s20 =	sadd.s32 $0x10, s20;
	s19 =	sadd.s32 $0x10, s19;
	[tilespmem:$0x0] =	vst v1  }
.LBB2_3:
0x4a: {  	[tilespmem:s15], [sflag:$0x1] =	stream.indirect.gather [hbm4b:s5+s14], $0x80, s4, s14, $0xb8;
	[tilespmem:$0x18100] =	vst v63  }
0x4b: {  	_ =	swait.ge [sflag:s16], $0x4000  }
0x4c: {  	[sflag:s16] =	ssyncset.done $0x0  }
0x4d: {  	[sflag:s16] =	ssyncadd.s32 $0xFFFFC000  }
0x4e: {  	[spmem:s2] =	stream.indirect.scatter.add.f32 [tilespmem:s15], [sflag:$0x2], $0x80, s14, s14, $0xb8;
	[tilespmem:$0x18100] =	vst v63  }
0x4f: {  	_ =	swait.ge [sflag:s13], $0x4000  }
0x50: {  	s17 =	sadd.s32 $0x1, s17;
	[sflag:s13] =	ssyncset.done $0x0  }
0x51: {  	p0 =	sne.s32 s17, s9;
	[sflag:s13] =	ssyncadd.s32 $0xFFFFC000  }
.Ltmp2:
0x52: {  	[bflag:$0x0] =	sbarrier.arrive $0xFFFF;
	(pc) =	sbr.rel @p0 .LBB2_1-.Ltmp2, $4  }
0x53: {  	[hbm:s8], [sflag:s6] =	dma.local [spmem:s12], $0x2800  }
0x54: {  	_ =	swait.ge [sflag:s13], $0x2800  }
0x55: {  	[sflag:s13] =	ssyncset.done $0x0  }
0x56: {  	[sflag:s13] =	ssyncadd.s32 $0xFFFFD800  }
0x57: {  	_ =	sfence.sel $0x180000  }
0x58: {  	[bflag:$0x0] =	sbarrier.arrive $0xFFFF  }
0x59: {  	p0 =	sne.s32 s3, $0x0;
	_ =	strace $0x9000004D  }
0x5a: {  	s0 =	sadd.s32 @!p0 $0x100000, s0;
	[bflag:$0x2] =	sbarrier.arrive $0xFFFF  }
0x5b: {  	[sflag:s0] =	ssyncadd.tile.s32 @!p0 $0x1;
	_ =	shalt  }
.Lfunc_end2:
_tile_overlayer_lowered:
.L_overlay_start_2:
0x5c: {  	(tag) =	ssettag $0x2  }
0x5d: {  	s0 =	rddreg [dreg:$0x0];
	s2 =	stileid.u32  }
0x5e: {  	s1 =	rddreg [dreg:$0x1];
	p0 =	sne.s32 s2, $0x0  }
0x5f: {  	s3 =	rddreg [dreg:$0x2];
	[bflag:$0x3] =	sbarrier.arrive $0xFFFF;
	s2 =	simm.s32 @!p0 $0x1C02  }
0x60: {  	[timem:s3], [sflag:s2] =	dma.local @!p0 [hbm:s0], s1  }
0x61: {  	s0 =	simm.s32 @!p0 $0x2  }
0x62: {  	_ =	swait.ge @!p0 [sflag:s0], s1  }
0x63: {  	s1 =	ssub.s32 @!p0 $0x0, s1;
	[sflag:s0] =	ssyncset.done @!p0 $0x0  }
0x64: {  	[sflag:s0] =	ssyncadd.s32 @!p0 s1  }
0x65: {  	[bflag:$0x3] =	sbarrier.arrive $0xFFFF  }
0x66: {  	_ =	shalt  }

// kernel: kernel.8.cloned.1.call-start
scs
__scs_entry_jumppad:
0x0: {  	(pc) =	sbr.rel $0x88, $3  }
0x1: {  	(tag) =	ssettag $0x0;
	lr =	simm.s32 $0x1  }
0x2: {  	[smem:$0x3F9B] =	sst lr;
	_ =	strace $0xD0000000  }
0x3: {  	_ = 	snop  }
0x4: {  	_ = 	snop  }
0x5: {  	_ = 	snop  }
0x6: {  	_ = 	snop  }
0x7: {  	_ = 	snop  }
__scs_overlays_trampoline_lowered:
0x8: {  	[smem:$0x3FAA] =	sst s0  }
0x9: {  	[smem:$0x3FAB] =	sst s1  }
0xa: {  	[smem:$0x3FAC] =	sst s2  }
0xb: {  	[smem:$0x3FAD] =	sst s3  }
0xc: {  	[smem:$0x3FAE] =	sst s4  }
0xd: {  	[smem:$0x3FAF] =	sst s5  }
0xe: {  	[smem:$0x3FB0] =	sst s6  }
0xf: {  	[smem:$0x3FB1] =	sst s7  }
0x10: {  	[smem:$0x3FB2] =	sst s8  }
0x11: {  	[smem:$0x3FB3] =	sst s9;
	s0 =	simm.s32 @!p0 $0x0  }
0x12: {  	s1 =	sld [smem:$0x3F99];
	s0 =	simm.s32 @p0 $0x1  }
0x13: {  	[smem:$0x3FB4] =	sst s0;
	s0 =	simm.s32 @!p1 $0x0  }
0x14: {  	s2 =	sld [smem:$0x3F98];
	s0 =	simm.s32 @p1 $0x1  }
0x15: {  	[smem:$0x3FB5] =	sst s0;
	s0 =	simm.s32 @!p2 $0x0  }
0x16: {  	s3 =	sld [smem:$0x3FDB];
	s0 =	simm.s32 @p2 $0x1  }
0x17: {  	s4 =	simm.s32 $0x1BF5;
	[smem:$0x3FB7] =	sst s0  }
0x18: {  	s0 =	sld [smem:$0x3F9A];
	_ =	swait.ge [sflag:s4], $0x0  }
0x19: {  	s7 =	sld [smem:$0x3F9B]  }
0x1a: {  	s8 =	sadd.s32 $0xFFFFE003, lr  }
0x1b: {  	s9 =	sadd.s32 $0xFFFFFEF7, lr;
	s5 =	simm.s32 $0xFFFFFFFF;
	p2 =	slt.u32 s8, $0xFFFFF086  }
0x1c: {  	p1 =	slt.u32 s9, $0xF7A;
	s5 =	simm.s32 @!p2 $0x0  }
0x1d: {  	s5 =	simm.s32 @p1 $0x1;
	p0 =	seq.s32 s7, s2  }
0x1e: {  	s7 =	smul.u32 @!p0 $0xF7A, s2;
	p2 =	seq.s32 @!p0 s5, $0x0  }
0x1f: {  	s9 =	smul.u32 $0xF7A, s1;
	s8 =	simm.s32 @!p0 $0x1BF5;
	p2 =	por !p2, p0  }
0x20: {  	[sflag:s8] =	ssyncset.s32 @!p0 $0xFFFFF086;
	s6 =	sadd.s32 @!p0 s3, s7;
	s7 =	simm.s32 @!p0 $0x108  }
0x21: {  	s3 =	sadd.s32 s3, s9;
	s6 =	sadd.s32 @!p0 $0x88, s6;
	s7 =	simm.s32 @p2 $0x1082  }
0x22: {  	[simem:s7], [sflag:s8] =	dma.local @!p0 [hbm:s6], $0xF7A  }
0x23: {  	s9 =	sor.u32 $0xD0000000, s2;
	s6 =	simm.s32 $0x108;
	_ =	swait.ge @!p0 [sflag:s8], $0x0  }
0x24: {  	s3 =	sadd.s32 $0x88, s3;
	s6 =	simm.s32 @!p1 $0x1082;
	[sflag:s4] =	ssyncset.s32 $0xFFFFF086  }
0x25: {  	[simem:s6], [sflag:s4] =	dma.local [hbm:s3], $0xF7A  }
0x26: {  	[smem:$0x3F9B] =	sst s1;
	(tag) =	ssettag s2;
	_ =	strace s9  }
0x27: {  	s1 =	sld [smem:$0x3FAB]  }
0x28: {  	s2 =	sld [smem:$0x3FAC]  }
0x29: {  	s4 =	sld [smem:$0x3FAE]  }
0x2a: {  	p0 =	seq.s32 s5, $0x0;
	s5 =	sld [smem:$0x3FAF]  }
0x2b: {  	s6 =	sld [smem:$0x3FB0]  }
0x2c: {  	s7 =	sld [smem:$0x3FB1]  }
0x2d: {  	s3 =	simm.s32 $0x108;
	s8 =	sld [smem:$0x3FB2]  }
0x2e: {  	s3 =	simm.s32 @!p0 $0x1082;
	s9 =	sld [smem:$0x3FB3]  }
0x2f: {  	lr =	sadd.s32 s0, s3;
	s0 =	sld [smem:$0x3FAA]  }
0x30: {  	s3 =	sld [smem:$0x3FAD]  }
0x31: {  	[smem:$0x3FB6] =	sst s10  }
0x32: {  	s10 =	sld [smem:$0x3FB4];
	_ =	sdelay $0x3  }
0x33: {  	p0 =	seq.s32 s10, $0x1;
	s10 =	sld [smem:$0x3FB6];
	_ =	sdelay $0x3  }
0x34: {  	[smem:$0x3FB6] =	sst s10  }
0x35: {  	s10 =	sld [smem:$0x3FB5];
	_ =	sdelay $0x3  }
0x36: {  	p1 =	seq.s32 s10, $0x1;
	s10 =	sld [smem:$0x3FB6];
	_ =	sdelay $0x3  }
0x37: {  	[smem:$0x3FB6] =	sst s10  }
0x38: {  	s10 =	sld [smem:$0x3FB7]  }
0x39: {  	_ = 	snop;
	(pc) =	sbr.ind lr, $3  }
0x3a: {  	_ = 	snop  }
0x3b: {  	_ = 	snop  }
0x3c: {  	p2 =	seq.s32 s10, $0x1;
	s10 =	sld [smem:$0x3FB6]  }
0x3d: {  	_ =	shalt  }
0x3e: {  	_ =	shalt  }
0x3f: {  	_ =	shalt  }
0x40: {  	_ =	shalt  }
0x41: {  	_ =	shalt  }
0x42: {  	_ =	shalt  }
0x43: {  	_ =	shalt  }
0x44: {  	_ =	shalt  }
0x45: {  	_ =	shalt  }
0x46: {  	_ =	shalt  }
0x47: {  	_ =	shalt  }
0x48: {  	_ =	shalt  }
0x49: {  	_ =	shalt  }
0x4a: {  	_ =	shalt  }
0x4b: {  	_ =	shalt  }
0x4c: {  	_ =	shalt  }
0x4d: {  	_ =	shalt  }
0x4e: {  	_ =	shalt  }
0x4f: {  	_ =	shalt  }
0x50: {  	_ =	shalt  }
0x51: {  	_ =	shalt  }
0x52: {  	_ =	shalt  }
0x53: {  	_ =	shalt  }
0x54: {  	_ =	shalt  }
0x55: {  	_ =	shalt  }
0x56: {  	_ =	shalt  }
0x57: {  	_ =	shalt  }
0x58: {  	_ =	shalt  }
0x59: {  	_ =	shalt  }
0x5a: {  	_ =	shalt  }
0x5b: {  	_ =	shalt  }
0x5c: {  	_ =	shalt  }
0x5d: {  	_ =	shalt  }
0x5e: {  	_ =	shalt  }
0x5f: {  	_ =	shalt  }
0x60: {  	_ =	shalt  }
0x61: {  	_ =	shalt  }
0x62: {  	_ =	shalt  }
0x63: {  	_ =	shalt  }
0x64: {  	_ =	shalt  }
0x65: {  	_ =	shalt  }
0x66: {  	_ =	shalt  }
0x67: {  	_ =	shalt  }
0x68: {  	_ =	shalt  }
0x69: {  	_ =	shalt  }
0x6a: {  	_ =	shalt  }
0x6b: {  	_ =	shalt  }
0x6c: {  	_ =	shalt  }
0x6d: {  	_ =	shalt  }
0x6e: {  	_ =	shalt  }
0x6f: {  	_ =	shalt  }
0x70: {  	_ =	shalt  }
0x71: {  	_ =	shalt  }
0x72: {  	_ =	shalt  }
0x73: {  	_ =	shalt  }
0x74: {  	_ =	shalt  }
0x75: {  	_ =	shalt  }
0x76: {  	_ =	shalt  }
0x77: {  	_ =	shalt  }
0x78: {  	_ =	shalt  }
0x79: {  	_ =	shalt  }
0x7a: {  	_ =	shalt  }
0x7b: {  	_ =	shalt  }
0x7c: {  	_ =	shalt  }
0x7d: {  	_ =	shalt  }
0x7e: {  	_ =	shalt  }
0x7f: {  	_ =	shalt  }
0x80: {  	_ =	shalt  }
0x81: {  	_ =	shalt  }
0x82: {  	_ =	shalt  }
0x83: {  	_ =	shalt  }
0x84: {  	_ =	shalt  }
0x85: {  	_ =	shalt  }
0x86: {  	_ =	shalt  }
0x87: {  	_ =	shalt  }
.Lfunc_end0:
.L_simem_size_0:
called_computation_lowered:
.L_overlay_start_0:
0x88: {  	s2 =	sld [smem:$0x3FD9]  }
0x89: {  	s3 =	sld [smem:$0x3FFE];
	_ =	sdelay $0x1  }
0x8a: {  	s1 =	srdreg.scid  }
0x8b: {  	s0 =	sand.u32 $0x1, s1  }
0x8c: {  	s17 =	sshll.u32 s0, $0xA;
	s2 =	sadd.s32 s3, s2  }
0x8d: {  	s2 =	sadd.s32 s2, s17  }
0x8e: {  	[smem:$0x3FC2] =	sst s2  }
0x8f: {  	_ = 	snop  }
0x90: {  	s2 =	sld [smem:$0x3FD0];
	(tm) =	ssettm $0x1  }
0x91: {  	s18 =	sld [smem:$0x3FFB];
	_ =	sdelay $0x3  }
0x92: {  	_ =	strace s18  }
0x93: {  	s3 =	sld [smem:$0x3FFC];
	_ =	sdelay $0x3  }
0x94: {  	_ =	strace s3  }
0x95: {  	s3 =	sld [smem:$0x3FFD];
	_ =	sdelay $0x3  }
0x96: {  	_ =	strace s3  }
0x97: {  	_ =	strace $0x8FFFFFFF  }
0x98: {  	s19 =	sld [smem:$0x3FDB];
	_ =	sdelay $0x1  }
0x99: {  	s4 =	simm.s32 $_scs_section_size  }
0x9a: {  	s5 =	simm.s32 $_size__tile_overlayer_lowered;
	s6 =	simm.s32 $_tile_overlayer_lowered  }
0x9b: {  	s22 =	simm.s32 $0x1BFF;
	s21 =	sshll.u32 s6, $0x1;
	s3 =	sadd.s32 s4, s19  }
0x9c: {  	s7 =	simm.s32 $0x0;
	s20 =	sshll.u32 s5, $0x1;
	s5 =	sadd.s32 s21, s3  }
0x9d: {  	[timem:s7], [sflag:s22] =	dma.local [hbm:s5], s20  }
0x9e: {  	_ =	swait.ge [sflag:s22], s20  }
0x9f: {  	s4 =	ssub.s32 $0x0, s20;
	[sflag:s22] =	ssyncset.done $0x0  }
0xa0: {  	[sflag:s22] =	ssyncadd.s32 s4;
	_ =	sdelay $0x1  }
0xa1: {  	s23 =	simm.s32 $0x1B8B  }
0xa2: {  	_ =	swait.ge [sflag:s23], $0x1  }
0xa3: {  	[sflag:s23] =	ssyncset.done $0x0  }
0xa4: {  	s25 =	simm.s32 $0x1B8E;
	s24 =	sld [smem:$0x3FFE];
	[sflag:s23] =	ssyncadd.s32 $0xFFFFFFFF  }
0xa5: {  	s26 =	simm.s32 $execute0_lowered;
	[smem:$0x3FD2] =	sst s25  }
0xa6: {  	s5 =	sshll.u32 s26, $0x1;
	_ =	strace $0x80000046;
	[dreg:$0x1] =	wrdreg $0xFFFFFFFF  }
0xa7: {  	s28 =	simm.s32 $_size_execute0_lowered;
	s3 =	sadd.s32 s3, s5;
	[dreg:$0x0] =	wrdreg $0x0  }
0xa8: {  	s5 =	sshll.u32 s28, $0x1;
	[dreg:$0x2] =	wrdreg s3  }
0xa9: {  	[dreg:$0x3] =	wrdreg s5  }
0xaa: {  	[dreg:$0x4] =	wrdreg $0xC0  }
0xab: {  	_ =	task [dreg:s7], $0x5FFFF  }
0xac: {  	[dreg:$0x1] =	wrdreg $0xFFFFFFFF  }
0xad: {  	[dreg:$0x0] =	wrdreg $0x60  }
0xae: {  	[dreg:$0x2] =	wrdreg s24  }
0xaf: {  	[dreg:$0x3] =	wrdreg s2  }
0xb0: {  	[dreg:$0x4] =	wrdreg $0x9  }
0xb1: {  	_ =	task.clear_ibuf [dreg:s7], $0x5FFFF;
	_ =	strace $0x90000046  }
0xb2: {  	s29 =	simm.s32 $0x9;
	_ =	strace $0x80000048  }
0xb3: {  	_ =	swait.ge [sflag:s29], $0x1  }
0xb4: {  	[sflag:s29] =	ssyncadd.s32 $0xFFFFFFFF  }
0xb5: {  	_ =	strace $0x90000048  }
0xb6: {  	_ =	sfence  }
0xb7: {  	s30 =	sld [smem:$0x0];
	_ =	sdelay $0x2  }
0xb8: {  	s31 =	sshll.u32 s1, $0xD;
	s1 =	sshrl.u32 s1, $0x2  }
0xb9: {  	s3 =	sand.u32 $0x4000, s31;
	s1 =	sadd.s32 s1, s30  }
0xba: {  	s0 =	sor.u32 s3, s0;
	s1 =	sshll.u32 s1, $0x11  }
0xbb: {  	s0 =	sor.u32 s1, s0  }
0xbc: {  	s0 =	sadd.s32 $0x8F2B, s0  }
0xbd: {  	[sflag:s0] =	ssyncadd.remote.s32 $0x1  }
0xbe: {  	_ =	sfence.sel $0xFFFF  }
0xbf: {  	[dreg:$0x0] =	wrdreg $0xFFFFFFFF;
	(pc) =	sbr.abs _section_cstart, $3  }
0xc0: {  	[dreg:$0x1] =	wrdreg $0xFFFFFFFF  }
0xc1: {  	_ =	task.clear_ibuf [dreg:s7], $0x2FFFF;
	_ =	strace $0x9FFFFFFF  }
0xc2: {  	(tm) =	ssettm $0x7FFFFFFF  }
0xc3: {  	_ =	shalt  }
tec
execute0_lowered:
.L_overlay_start_1:
0x0: {  	(tag) =	ssettag $0x1  }
0x1: {  	s3 =	rddreg [dreg:$0x0];
	s0 =	srdreg.scid  }
0x2: {  	s5 =	rddreg [dreg:$0x1];
	s1 =	stileid.u32;
	s2 =	simm.s32 $0x0  }
0x3: {  	s10 =	simm.s32 $0x2800;
	s11 =	simm.s32 $0x5000;
	s12 =	simm.s32 $0x80  }
0x4: {  	s13 =	simm.s32 $0x100;
	s14 =	simm.s32 $0x0;
	s4 =	sand.u32 $0x1, s0  }
0x5: {  	s0 =	rddreg [dreg:$0x2];
	s6 =	sshll.u32 s1, $0x1;
	s8 =	smul.u32 $0x5000, s1  }
0x6: {  	s7 =	smul.u32 $0x50000, s4;
	s6 =	sor.u32 s4, s6;
	s4 =	ssub.s32 $0x2, s4  }
0x7: {  	[smem:$0x7FF] =	sst s2;
	s6 =	smul.u32 $0x280, s6;
	s9 =	sshrl.u32 s4, $0x1  }
0x8: {  	_ =	strace $0x80000047;
	s7 =	sadd.s32 s8, s7;
	s31 =	ssub.s32 s4, s9  }
0x9: {  	s8 =	simm.s32 $0x1;
	s6 =	sadd.s32 s6, s3;
	s7 =	sshrl.u32 s7, $0x3  }
0xa: {  	s9 =	simm.s32 $0x1400;
	s3 =	sadd.s32 $0x6600, s6;
	s5 =	sadd.s32 s5, s7  }
0xb: {  	v0 =	vimm.f32 $0.0e+00;
	v1 =	vimm.f32 $1.000000000e+00;
	s4 =	sadd.s32 $0x1600, s6;
	s7 =	smax.u32 s31, $0x1;
	s6 =	sadd.s32 $0x10, s5  }
.LBB2_1:
0xc: {  	[tilespmem:s2], [sflag:$0x1] =	stream.linear.gather [hbm4b:s3+s2], $0x1400, $0x38;
	[tilespmem:$0x7800] =	vst v63  }
0xd: {  	_ =	swait.ge [sflag:s8], $0x1400  }
0xe: {  	[sflag:s8] =	ssyncset.done $0x0  }
0xf: {  	[sflag:s8] =	ssyncadd.s32 $0xFFFFEC00  }
0x10: {  	[tilespmem:s9], [sflag:$0x1] =	stream.linear.gather [hbm4b:s4+s2], $0x1400, $0x38;
	[tilespmem:$0x7800] =	vst v63  }
0x11: {  	_ =	swait.ge [sflag:s8], $0x1400  }
0x12: {  	[sflag:s8] =	ssyncset.done $0x0  }
0x13: {  	s15 =	simm.s32 $0x0;
	[sflag:s8] =	ssyncadd.s32 $0xFFFFEC00  }
.LBB2_2:
0x14: {  	p0 =	sne.s32 s15, $0x9FC0  }
.Ltmp0:
0x15: {  	_ = 	snop;
	(pc) =	sbr.rel @p0 .LBB2_2-.Ltmp0, $4  }
0x16: {  	_ = 	snop  }
0x17: {  	s16 =	sshra.s32 s15, $0x2  }
0x18: {  	[tilespmem:s16+$0x2800] =	vst v0  }
0x19: {  	s15 =	sadd.s32 $0x40, s15;
	[tilespmem:s16+$0x5000] =	vst v0  }
0x1a: {  	s15 =	simm.s32 $0x0  }
.LBB2_4:
0x1b: {  	s16 =	sshra.s32 s15, $0x2  }
0x1c: {  	v2 =	vld [tilespmem:s16+$0x0];
	_ =	sdelay $0x7  }
0x1d: {  	[tilespmem:v2+s10+$0x0] =	vst.idx.add.f32.msk $0xffff, v1  }
0x1e: {  	v2 =	vld [tilespmem:s16+$0x1400];
	_ =	sdelay $0x7  }
0x1f: {  	[tilespmem:v2+s11+$0x0] =	vst.idx.add.f32.msk $0xffff, v1  }
0x20: {  	v2 =	vld [tilespmem:s16+$0x10];
	_ =	sdelay $0x7  }
0x21: {  	[tilespmem:v2+s10+$0x0] =	vst.idx.add.f32.msk $0xffff, v1  }
0x22: {  	v2 =	vld [tilespmem:s16+$0x1410];
	_ =	sdelay $0x7  }
0x23: {  	[tilespmem:v2+s11+$0x0] =	vst.idx.add.f32.msk $0xffff, v1  }
0x24: {  	v2 =	vld [tilespmem:s16+$0x20];
	_ =	sdelay $0x7  }
0x25: {  	[tilespmem:v2+s10+$0x0] =	vst.idx.add.f32.msk $0xffff, v1  }
0x26: {  	v2 =	vld [tilespmem:s16+$0x1420];
	_ =	sdelay $0x7  }
0x27: {  	[tilespmem:v2+s11+$0x0] =	vst.idx.add.f32.msk $0xffff, v1  }
0x28: {  	v2 =	vld [tilespmem:s16+$0x30];
	_ =	sdelay $0x7  }
0x29: {  	[tilespmem:v2+s10+$0x0] =	vst.idx.add.f32.msk $0xffff, v1  }
0x2a: {  	v2 =	vld [tilespmem:s16+$0x1430];
	_ =	sdelay $0x7  }
0x2b: {  	[tilespmem:v2+s11+$0x0] =	vst.idx.add.f32.msk $0xffff, v1  }
0x2c: {  	v2 =	vld [tilespmem:s16+$0x40];
	_ =	sdelay $0x7  }
0x2d: {  	[tilespmem:v2+s10+$0x0] =	vst.idx.add.f32.msk $0xffff, v1  }
0x2e: {  	v2 =	vld [tilespmem:s16+$0x1440];
	_ =	sdelay $0x7  }
0x2f: {  	[tilespmem:v2+s11+$0x0] =	vst.idx.add.f32.msk $0xffff, v1  }
0x30: {  	v2 =	vld [tilespmem:s16+$0x50];
	_ =	sdelay $0x7  }
0x31: {  	[tilespmem:v2+s10+$0x0] =	vst.idx.add.f32.msk $0xffff, v1  }
0x32: {  	v2 =	vld [tilespmem:s16+$0x1450];
	_ =	sdelay $0x7  }
0x33: {  	[tilespmem:v2+s11+$0x0] =	vst.idx.add.f32.msk $0xffff, v1  }
0x34: {  	v2 =	vld [tilespmem:s16+$0x60];
	_ =	sdelay $0x7  }
0x35: {  	[tilespmem:v2+s10+$0x0] =	vst.idx.add.f32.msk $0xffff, v1  }
0x36: {  	v2 =	vld [tilespmem:s16+$0x1460];
	_ =	sdelay $0x7  }
0x37: {  	[tilespmem:v2+s11+$0x0] =	vst.idx.add.f32.msk $0xffff, v1  }
0x38: {  	v2 =	vld [tilespmem:s16+$0x70];
	_ =	sdelay $0x7  }
0x39: {  	[tilespmem:v2+s10+$0x0] =	vst.idx.add.f32.msk $0xffff, v1  }
0x3a: {  	v2 =	vld [tilespmem:s16+$0x1470];
	_ =	sdelay $0x2  }
0x3b: {  	p0 =	sne.s32 s15, $0x4E00  }
.Ltmp1:
0x3c: {  	_ = 	snop;
	(pc) =	sbr.rel @p0 .LBB2_4-.Ltmp1, $2  }
0x3d: {  	_ =	sdelay $0x2  }
0x3e: {  	s15 =	sadd.s32 $0x200, s15;
	[tilespmem:v2+s11+$0x0] =	vst.idx.add.f32.msk $0xffff, v1  }
0x3f: {  	[hbm4b:s5+s12] =	stream.strided.scatter [tilespmem:s10], [sflag:$0x1], $0x2800, s13, s12, $0x38;
	[tilespmem:$0x7800] =	vst v63  }
0x40: {  	s14 =	sadd.s32 $0x1, s14;
	_ =	swait.ge [sflag:s8], $0x2800  }
0x41: {  	p0 =	sne.s32 s14, s7;
	[sflag:s8] =	ssyncset.done $0x0  }
.Ltmp2:
0x42: {  	[sflag:s8] =	ssyncadd.s32 $0xFFFFD800;
	(pc) =	sbr.rel @p0 .LBB2_1-.Ltmp2, $4  }
0x43: {  	[hbm4b:s6+s12] =	stream.strided.scatter [tilespmem:s11], [sflag:$0x1], $0x2800, s13, s12, $0x38;
	[tilespmem:$0x7800] =	vst v63  }
0x44: {  	_ =	swait.ge [sflag:s8], $0x2800  }
0x45: {  	[sflag:s8] =	ssyncset.done $0x0  }
0x46: {  	[sflag:s8] =	ssyncadd.s32 $0xFFFFD800  }
0x47: {  	_ =	sfence.sel $0x180000  }
0x48: {  	[bflag:$0x0] =	sbarrier.arrive $0xFFFF  }
0x49: {  	p0 =	sne.s32 s1, $0x0;
	_ =	strace $0x90000047  }
0x4a: {  	s0 =	sadd.s32 @!p0 $0x100000, s0;
	[bflag:$0x2] =	sbarrier.arrive $0xFFFF  }
0x4b: {  	[sflag:s0] =	ssyncadd.tile.s32 @!p0 $0x1;
	_ =	shalt  }
.Lfunc_end2:
_tile_overlayer_lowered:
.L_overlay_start_2:
0x4c: {  	(tag) =	ssettag $0x2  }
0x4d: {  	s0 =	rddreg [dreg:$0x0];
	s2 =	stileid.u32  }
0x4e: {  	s1 =	rddreg [dreg:$0x1];
	p0 =	sne.s32 s2, $0x0  }
0x4f: {  	s3 =	rddreg [dreg:$0x2];
	[bflag:$0x3] =	sbarrier.arrive $0xFFFF;
	s2 =	simm.s32 @!p0 $0x1C01  }
0x50: {  	[timem:s3], [sflag:s2] =	dma.local @!p0 [hbm:s0], s1  }
0x51: {  	s0 =	simm.s32 @!p0 $0x1  }
0x52: {  	_ =	swait.ge @!p0 [sflag:s0], s1  }
0x53: {  	s1 =	ssub.s32 @!p0 $0x0, s1;
	[sflag:s0] =	ssyncset.done @!p0 $0x0  }
0x54: {  	[sflag:s0] =	ssyncadd.s32 @!p0 s1  }
0x55: {  	[bflag:$0x3] =	sbarrier.arrive $0xFFFF  }
0x56: {  	_ =	shalt  }

</sc_bundles>
